<compile_context>
chip_gen: v7x
topology: tpu7x:2x2x1
jax: 0.10.2.dev20260603
libtpu: 0.0.44.dev20260713+nightly
codegen_flags: <defaults>
</compile_context>

<pallas_src>
import functools

import jax
import jax.numpy as jnp
import numpy as np
from jax import lax
from jax.experimental import pallas as pl
from jax.experimental.pallas import tpu as pltpu
from jax.experimental.pallas import tpu_sc as plsc

_B = 2
_N_PER = 4096
_N_POINTS = 2 ** 15
_SL = 8


def _fps_kernel_body(m, nb, ln, px_ref, py_ref, pz_ref, qx_ref, qy_ref, qz_ref, dist_ref):
    px = px_ref[...]
    py = py_ref[...]
    pz = pz_ref[...]
    shape = (nb, _SL, ln)
    n_iota = (jax.lax.broadcasted_iota(jnp.int32, shape, 1) * ln
              + jax.lax.broadcasted_iota(jnp.int32, shape, 2))
    sx = px[:, 0:1, 0:1]
    sy = py[:, 0:1, 0:1]
    sz = pz[:, 0:1, 0:1]
    dx = px - sx
    dy = py - sy
    dz = pz - sz
    dist_ref[...] = (dx * dx + dy * dy) + dz * dz
    qx_ref[0:1, :] = jnp.reshape(sx, (1, nb))
    qy_ref[0:1, :] = jnp.reshape(sy, (1, nb))
    qz_ref[0:1, :] = jnp.reshape(sz, (1, nb))

    def body(i, _):
        d = dist_ref[...]
        mx = jnp.max(d, axis=(1, 2), keepdims=True)
        cand = jnp.where(d == mx, n_iota, jnp.int32(2**30))
        nxt = jnp.min(cand, axis=(1, 2), keepdims=True)
        msk = n_iota == nxt
        ninf = jnp.float32(-jnp.inf)
        sx = jnp.max(jnp.where(msk, px, ninf), axis=(1, 2), keepdims=True)
        sy = jnp.max(jnp.where(msk, py, ninf), axis=(1, 2), keepdims=True)
        sz = jnp.max(jnp.where(msk, pz, ninf), axis=(1, 2), keepdims=True)
        dx = px - sx
        dy = py - sy
        dz = pz - sz
        dd = (dx * dx + dy * dy) + dz * dz
        dist_ref[...] = jnp.minimum(d, dd)
        qx_ref[pl.ds(i, 1), :] = jnp.reshape(sx, (1, nb))
        qy_ref[pl.ds(i, 1), :] = jnp.reshape(sy, (1, nb))
        qz_ref[pl.ds(i, 1), :] = jnp.reshape(sz, (1, nb))
        return 0

    jax.lax.fori_loop(1, m, body, 0)


def _fps_pallas(pos, nb, n_per, m):
    pc = pos.reshape(nb, n_per, 3)
    ln = n_per // _SL
    px = pc[:, :, 0].reshape(nb, _SL, ln)
    py = pc[:, :, 1].reshape(nb, _SL, ln)
    pz = pc[:, :, 2].reshape(nb, _SL, ln)
    out_shape = [jax.ShapeDtypeStruct((m, nb), jnp.float32)] * 3
    qx, qy, qz = pl.pallas_call(
        functools.partial(_fps_kernel_body, m, nb, ln),
        out_shape=out_shape,
        scratch_shapes=[pltpu.VMEM((nb, _SL, ln), jnp.float32)],
    )(px, py, pz)
    return jnp.stack([qx.T.reshape(-1), qy.T.reshape(-1), qz.T.reshape(-1)], axis=1)


def _mlp_apply(h, p):
    n = len(p["W"])
    for i in range(n):
        h = h @ p["W"][i] + p["b"][i]
        if i < n - 1:
            h = h / jnp.sqrt(1.0 + 1e-5)
            h = jax.nn.relu(h)
    return h


def _fps_cloud(pos_c, m):
    def body(i, st):
        sel, dists = st
        nxt = jnp.argmax(dists).astype(jnp.int32)
        sel = sel.at[i].set(nxt)
        d = jnp.sum((pos_c - pos_c[nxt]) ** 2, axis=1)
        return sel, jnp.minimum(dists, d)
    sel0 = jnp.zeros((m,), jnp.int32)
    d0 = jnp.sum((pos_c - pos_c[0]) ** 2, axis=1)
    sel, _ = jax.lax.fori_loop(1, m, body, (sel0, d0))
    return sel


def _fps(pos, nb, n_per, ratio):
    m = int(n_per * ratio)
    sel = jax.vmap(lambda pc: _fps_cloud(pc, m))(pos.reshape(nb, n_per, 3))
    idx = (sel + (jnp.arange(nb, dtype=jnp.int32) * n_per)[:, None]).reshape(-1)
    return idx, m


def _radius(qpos, qbatch, pos, batch, r, k=64):
    diff = qpos[:, None, :] - pos[None, :, :]
    d2 = jnp.sum(diff * diff, axis=-1)
    mask = (qbatch[:, None] == batch[None, :]) & (d2 <= r * r)
    score = jnp.where(mask, -d2, -jnp.inf)
    vals, nbr = jax.lax.top_k(score, k)
    return nbr, vals > -jnp.inf


_NW = 32


def _select_body(qb, s_len, keys_ref_unused, q_ref, posT_ref, keys_ref, k64_ref):
    qx = q_ref[:, 0:1]
    qy = q_ref[:, 1:2]
    qz = q_ref[:, 2:3]
    px = posT_ref[0:1, :]
    py = posT_ref[1:2, :]
    pz = posT_ref[2:3, :]
    dx = qx - px
    dy = qy - py
    dz = qz - pz
    d2 = (dx * dx + dy * dy) + dz * dz
    keys = jax.lax.bitcast_convert_type(d2, jnp.int32)
    keys_ref[...] = keys

    def it(t, st):
        lo, hi = st
        mid = lo + jax.lax.div(hi - lo, 2)
        cnt = jnp.sum((keys <= mid).astype(jnp.float32), axis=1, keepdims=True)
        ge = cnt >= 64.0
        return jnp.where(ge, lo, mid + 1), jnp.where(ge, mid, hi)

    lo0 = jnp.zeros((qb, 1), jnp.int32)
    hi0 = jnp.full((qb, 1), 0x7F800000, jnp.int32)
    lo, hi = jax.lax.fori_loop(0, 31, it, (lo0, hi0))
    k64_ref[...] = hi


def _select_pallas(qpos, posT, s_len, qb):
    nq = qpos.shape[0]
    mc = nq // 2
    grid = (2, mc // qb)
    keys, k64 = pl.pallas_call(
        functools.partial(_select_body, qb, s_len, None),
        grid=grid,
        in_specs=[
            pl.BlockSpec((qb, 3), lambda c, i: (c * (mc // qb) + i, 0)),
            pl.BlockSpec((3, s_len), lambda c, i: (0, c)),
        ],
        out_specs=[
            pl.BlockSpec((qb, s_len), lambda c, i: (c * (mc // qb) + i, 0)),
            pl.BlockSpec((qb, 1), lambda c, i: (c * (mc // qb) + i, 0)),
        ],
        out_shape=[
            jax.ShapeDtypeStruct((nq, s_len), jnp.int32),
            jax.ShapeDtypeStruct((nq, 1), jnp.int32),
        ],
    )(qpos, posT)
    return keys, k64


def _sc_compact(keys, k64, s_len):
    nq = keys.shape[0]
    half = nq // 2
    groups = nq // (_NW * 16)
    mesh = plsc.VectorSubcoreMesh(core_axis_name="c", subcore_axis_name="s")

    @functools.partial(
        pl.kernel, mesh=mesh,
        out_type=[
            jax.ShapeDtypeStruct((nq * 64,), jnp.int32),
            jax.ShapeDtypeStruct((nq, 64), jnp.int32),
        ],
        scratch_types=[
            pltpu.VMEM((16, s_len), jnp.int32),
            pltpu.VMEM((16,), jnp.int32),
            pltpu.VMEM((1024,), jnp.int32),
            pltpu.VMEM((16, 64), jnp.int32),
            pltpu.VMEM((1024,), jnp.int32),
        ],
        compiler_params=pltpu.CompilerParams(
            use_tc_tiling_on_sc=False, needs_layout_passes=False),
    )
    def k(keys_hbm, k64_hbm, nbr_hbm, keysel_hbm, slab, k64s, nbrb, keyb, eqib):
        wid = lax.axis_index("s") * 2 + lax.axis_index("c")
        lanes = lax.iota(jnp.int32, 16)

        def group(g, carry):
            qbase = (wid * groups + g) * 16
            pltpu.sync_copy(keys_hbm.at[pl.ds(qbase, 16)], slab)
            pltpu.sync_copy(k64_hbm.at[pl.ds(qbase, 16)], k64s)
            k64v = k64s[...]
            offv = jnp.where(qbase + lanes >= half, jnp.int32(s_len), jnp.int32(0))

            lanes64 = lanes * 64

            def step16(cblk, cnts):
                cnt_lt, cnt_eq = cnts
                for t in range(16):
                    j = cblk * 16 + t
                    jv = jnp.zeros((16,), jnp.int32) + j
                    kv = plsc.load_gather(slab, [lanes, jv])
                    m_lt = kv < k64v
                    m_eq = (kv == k64v) & (cnt_eq < 64)
                    plsc.store_scatter(nbrb, [lanes64 + cnt_lt], jv + offv, mask=m_lt)
                    plsc.store_scatter(keyb, [lanes, cnt_lt], kv, mask=m_lt)
                    plsc.store_scatter(eqib, [lanes64 + cnt_eq], jv + offv, mask=m_eq)
                    cnt_lt = cnt_lt + jnp.where(m_lt, 1, 0)
                    cnt_eq = cnt_eq + jnp.where(m_eq, 1, 0)
                return cnt_lt, cnt_eq

            zero16 = jnp.zeros((16,), jnp.int32)
            cnt_lt, cnt_eq = lax.fori_loop(0, s_len // 16, step16, (zero16, zero16))

            def fill(s, carry):
                sv = jnp.zeros((16,), jnp.int32) + s
                val = plsc.load_gather(eqib, [lanes64 + sv])
                dest = cnt_lt + s
                m = (dest < 64) & (sv < cnt_eq)
                plsc.store_scatter(nbrb, [lanes64 + dest], val, mask=m)
                plsc.store_scatter(keyb, [lanes, dest], k64v, mask=m)
                return carry

            lax.fori_loop(0, 64, fill, 0)
            pltpu.sync_copy(nbrb, nbr_hbm.at[pl.ds(qbase * 64, 1024)])
            pltpu.sync_copy(keyb, keysel_hbm.at[pl.ds(qbase, 16)])
            return carry

        lax.fori_loop(0, groups, group, 0)

    return k(keys, k64)


def _sc_gather(table, idx, chunk):
    V, D = table.shape
    B = idx.shape[0]
    b_per_w = B // _NW
    n_rounds = b_per_w // chunk
    assert b_per_w % chunk == 0 and B % (8 * _NW) == 0
    mesh = plsc.VectorSubcoreMesh(core_axis_name="c", subcore_axis_name="s")

    @functools.partial(
        pl.kernel, mesh=mesh,
        out_type=jax.ShapeDtypeStruct((B, D), jnp.float32),
        scratch_types=[
            pltpu.VMEM((chunk,), jnp.int32),
            pltpu.VMEM((chunk, D), jnp.float32),
            pltpu.SemaphoreType.DMA,
        ],
        compiler_params=pltpu.CompilerParams(use_tc_tiling_on_sc=False),
    )
    def k(table_hbm, idx_hbm, out_hbm, idx_v, rows_v, sem):
        wid = lax.axis_index("s") * 2 + lax.axis_index("c")
        base = wid * b_per_w

        def body(rnd, carry):
            off = base + rnd * chunk
            pltpu.sync_copy(idx_hbm.at[pl.ds(off, chunk)], idx_v)
            pltpu.async_copy(table_hbm.at[idx_v], rows_v, sem).wait()
            pltpu.sync_copy(rows_v, out_hbm.at[pl.ds(off, chunk)])
            return carry

        lax.fori_loop(0, n_rounds, body, 0)

    return k(table, idx)


def _conv_mlp_body(qb, k, c3, rkey, xg_ref, qpos_ref, valid_ref, wg_ref, wq_ref, b1_ref,
                   w2_ref, b2_ref, w3_ref, b3_ref, out_ref):
    s = jnp.sqrt(jnp.float32(1.0 + 1e-5))
    hp = jax.lax.Precision.DEFAULT
    c1 = wg_ref.shape[1]
    h = jnp.dot(xg_ref[...], wg_ref[...], precision=hp) + b1_ref[...]
    qoff = jnp.dot(qpos_ref[...], wq_ref[...], precision=hp)
    h = (h.reshape(qb, k, c1) - qoff.reshape(qb, 1, c1)).reshape(qb * k, c1)
    h = jax.nn.relu(h / s)
    h = jnp.dot(h, w2_ref[...], precision=hp) + b2_ref[...]
    h = jax.nn.relu(h / s)
    h = jnp.dot(h, w3_ref[...], precision=hp) + b3_ref[...]
    h3 = h.reshape(qb, k, c3)
    valid = valid_ref[...].reshape(qb, k, 1) <= rkey
    hm = jnp.where(valid, h3, -jnp.inf)
    out = jnp.max(hm, axis=1)
    out_ref[...] = jnp.where(jnp.isneginf(out), 0.0, out)


def _conv_mlp_max(xg, qpos, valid, wg, wq, b1, w2, b2, w3, b3, qb, rkey):
    nq, k = valid.shape
    dp = xg.shape[1]
    c1 = wg.shape[1]
    c2 = w2.shape[1]
    c3 = w3.shape[1]
    grid = nq // qb
    full = lambda shp: pl.BlockSpec(shp, lambda i: (0, 0))
    return pl.pallas_call(
        functools.partial(_conv_mlp_body, qb, k, c3, rkey),
        grid=(grid,),
        in_specs=[
            pl.BlockSpec((qb * k, dp), lambda i: (i, 0)),
            pl.BlockSpec((qb, 3), lambda i: (i, 0)),
            pl.BlockSpec((qb, k), lambda i: (i, 0)),
            full((dp, c1)), full((3, c1)), full((1, c1)),
            full((c1, c2)), full((1, c2)),
            full((c2, c3)), full((1, c3)),
        ],
        out_specs=pl.BlockSpec((qb, c3), lambda i: (i, 0)),
        out_shape=jax.ShapeDtypeStruct((nq, c3), jnp.float32),
    )(xg, qpos, valid, wg, wq, b1, w2, b2, w3, b3)


def _sa_module(x, pos, batch, nb, n_per, ratio, r, p):
    m = int(n_per * ratio)
    qpos = _fps_pallas(pos, nb, n_per, m)
    qbatch = jnp.repeat(jnp.arange(nb, dtype=batch.dtype), m)
    keys, k64 = _select_pallas(qpos, pos.T, n_per, qb=256)
    nbr, keysel = _sc_compact(keys, k64.reshape(-1), n_per)
    rkey = int(np.float32(r * r).view(np.int32))
    f = x.shape[1]
    dp = ((3 + f + 15) // 16) * 16
    table = jnp.concatenate(
        [pos, x, jnp.zeros((pos.shape[0], dp - 3 - f), jnp.float32)], axis=1)
    chunk = 2048 if dp <= 32 else 256
    xg = _sc_gather(table, nbr, chunk)
    w1, b1 = p["W"][0], p["b"][0]
    c1 = w1.shape[1]
    wg = jnp.concatenate([w1[f:f + 3], w1[:f], jnp.zeros((dp - 3 - f, c1), jnp.float32)], axis=0)
    qb = 128 if dp <= 32 else 64
    out = _conv_mlp_max(xg, qpos, keysel, wg, w1[f:f + 3],
                        b1[None, :], p["W"][1], p["b"][1][None, :],
                        p["W"][2], p["b"][2][None, :], qb, rkey)
    return out, qpos, qbatch, m


def _tail_pallas(z, params):
    def body(z_ref, s0, sb0, s1, sb1, s2, sb2, w0, b0, w1, b1, w2, b2, o_ref):
        s = jnp.sqrt(jnp.float32(1.0 + 1e-5))
        h = z_ref[...] @ s0[...] + sb0[...]
        h = jax.nn.relu(h / s)
        h = h @ s1[...] + sb1[...]
        h = jax.nn.relu(h / s)
        h = h @ s2[...] + sb2[...]
        n2 = h.shape[0] // 2
        g = jnp.concatenate([
            jnp.max(h[:n2], axis=0, keepdims=True),
            jnp.max(h[n2:], axis=0, keepdims=True)], axis=0)
        g = g @ w0[...] + b0[...]
        g = jax.nn.relu(g / s)
        g = g @ w1[...] + b1[...]
        g = jax.nn.relu(g / s)
        g = g @ w2[...] + b2[...]
        mx = jnp.max(g, axis=1, keepdims=True)
        sh = g - mx
        o_ref[...] = sh - jnp.log(jnp.sum(jnp.exp(sh), axis=1, keepdims=True))

    p3, ph = params["sa3"], params["head"]
    args = [z,
            p3["W"][0], p3["b"][0][None, :], p3["W"][1], p3["b"][1][None, :],
            p3["W"][2], p3["b"][2][None, :],
            ph["W"][0], ph["b"][0][None, :], ph["W"][1], ph["b"][1][None, :],
            ph["W"][2], ph["b"][2][None, :]]
    return pl.pallas_call(
        body,
        out_shape=jax.ShapeDtypeStruct((_B, 13), jnp.float32),
    )(*args)


def kernel(x, batch, params):
    pos = x[:, :3]
    feats = x[:, 3:]
    x1, pos1, batch1, m1 = _sa_module(feats, pos, batch, _B, _N_PER, 0.5, 2.0, params["sa1"])
    x2, pos2, batch2, m2 = _sa_module(x1, pos1, batch1, _B, m1, 0.5, 4.0, params["sa2"])
    out2 = _tail_pallas(jnp.concatenate([x2, pos2], axis=1), params)
    rep = jnp.repeat(out2, 1024, axis=0)
    return jnp.tile(rep, (_N_POINTS // 1024, 1))

# --- scband reference (transcript-rebuilt; emitter-appended) ---
"""Pipeline reference for scband-balanced-point-net-plus-plus-79654463471956 (READ-ONLY COPY).

The authoritative reference and input builder live on the scoring server;
editing this copy changes nothing except your own understanding.
"""

import jax, jax.numpy as jnp
import numpy as np

N_POINTS = 2 ** 15  # 32768, matches module constant
B = 2               # number of point clouds in batch
N_PER = 4096        # points per cloud (equal-sized, contiguous batch vector)
NUM_FEATURES = 3
NUM_CLASSES = 13


def _make_mlp_params(key, dims):
    Ws, bs = [], []
    for i in range(len(dims) - 1):
        key, k1 = jax.random.split(key)
        W = jax.random.normal(k1, (dims[i], dims[i + 1]), jnp.float32) * (1.0 / np.sqrt(dims[i]))
        Ws.append(W)
        bs.append(jnp.zeros((dims[i + 1],), jnp.float32))
    return {"W": Ws, "b": bs}


def setup_inputs(seed: int = 0):
    key = jax.random.key(seed)
    k1, _ = jax.random.split(key)
    x = jax.random.normal(k1, (B * N_PER, 3 + NUM_FEATURES), dtype=jnp.float32)
    batch = jnp.repeat(jnp.arange(B, dtype=jnp.int32), N_PER)  # sorted, equal-sized clouds
    params = {
        "sa1": _make_mlp_params(jax.random.fold_in(key, 1), [3 + NUM_FEATURES, 64, 64, 128]),
        "sa2": _make_mlp_params(jax.random.fold_in(key, 2), [128 + 3, 128, 128, 256]),
        "sa3": _make_mlp_params(jax.random.fold_in(key, 3), [256 + 3, 256, 256, 512]),
        "head": _make_mlp_params(jax.random.fold_in(key, 4), [512, 256, 128, NUM_CLASSES]),
    }
    return {"x": x, "batch": batch, "params": params}


def _mlp_apply(h, p):
    # torch_geometric.nn.MLP with plain_last=True: Lin -> BN -> ReLU for hidden layers, plain Lin last.
    # BatchNorm1d in eval with fresh running stats (mean=0, var=1) and affine (1, 0): x / sqrt(1 + eps).
    n = len(p["W"])
    for i in range(n):
        h = h @ p["W"][i] + p["b"][i]
        if i < n - 1:
            h = h / jnp.sqrt(1.0 + 1e-5)
            h = jax.nn.relu(h)
    return h


def _fps_cloud(pos_c, m):
    # farthest point sampling, deterministic start at point 0
    def body(i, st):
        sel, dists = st
        nxt = jnp.argmax(dists).astype(jnp.int32)
        sel = sel.at[i].set(nxt)
        d = jnp.sum((pos_c - pos_c[nxt]) ** 2, axis=1)
        return sel, jnp.minimum(dists, d)
    sel0 = jnp.zeros((m,), jnp.int32)
    d0 = jnp.sum((pos_c - pos_c[0]) ** 2, axis=1)
    sel, _ = jax.lax.fori_loop(1, m, body, (sel0, d0))
    return sel


def _fps(pos, nb, n_per, ratio):
    m = int(n_per * ratio)
    sel = jax.vmap(lambda pc: _fps_cloud(pc, m))(pos.reshape(nb, n_per, 3))
    idx = (sel + (jnp.arange(nb, dtype=jnp.int32) * n_per)[:, None]).reshape(-1)
    return idx, m


def _radius(qpos, qbatch, pos, batch, r, k=64):
    # up to k neighbors within radius r, same cloud (nearest-first selection)
    qn = jnp.sum(qpos * qpos, axis=1)
    pn = jnp.sum(pos * pos, axis=1)
    d2 = qn[:, None] + pn[None, :] - 2.0 * (qpos @ pos.T)
    mask = (qbatch[:, None] == batch[None, :]) & (d2 <= r * r)
    score = jnp.where(mask, -d2, -jnp.inf)
    vals, nbr = jax.lax.top_k(score, k)
    return nbr, vals > -jnp.inf


def _sa_module(x, pos, batch, nb, n_per, ratio, r, p):
    # SAModule: fps -> radius graph -> PointNetConv(local_nn=MLP, max aggregation)
    pos_sg = jax.lax.stop_gradient(pos)  # index computation is non-differentiable, as in torch
    idx, m = _fps(pos_sg, nb, n_per, ratio)
    qpos = pos[idx]
    qbatch = batch[idx]
    nbr, valid = _radius(jax.lax.stop_gradient(qpos), qbatch, pos_sg, batch, r)
    # PointNetConv message: local_nn(cat([x_j, pos_j - pos_i]))
    msg = jnp.concatenate([x[nbr], pos[nbr] - qpos[:, None, :]], axis=-1)
    h = _mlp_apply(msg, p)
    h = jnp.where(valid[:, :, None], h, -jnp.inf)
    out = jnp.max(h, axis=1)  # max aggregation over neighbors
    out = jnp.where(jnp.isneginf(out), 0.0, out)  # PyG fills empty segments with 0
    return out, qpos, qbatch, m


def reference(x, batch, params):
    pos = x[:, :3]
    feats = x[:, 3:]
    x1, pos1, batch1, m1 = _sa_module(feats, pos, batch, B, N_PER, 0.5, 2.0, params["sa1"])
    x2, pos2, batch2, m2 = _sa_module(x1, pos1, batch1, B, m1, 0.5, 4.0, params["sa2"])
    # GlobalSAModule: nn(cat([x, pos])) then global_max_pool
    h = _mlp_apply(jnp.concatenate([x2, pos2], axis=1), params["sa3"])
    g = jax.ops.segment_max(h, batch2, num_segments=B)
    # eval-mode chunked repeat_interleave up to N_POINTS copies per graph
    chunk_size = 1024
    reps = []
    for i in range(0, N_POINTS, chunk_size):
        e = min(i + chunk_size, N_POINTS)
        reps.append(jnp.repeat(g, e - i, axis=0))
    feat = jnp.concatenate(reps, axis=0)  # [B * N_POINTS, 512]
    logits = _mlp_apply(feat, params["head"])
    return jax.nn.log_softmax(logits, axis=-1)


if False:  # reference __main__ guard neutralized (emitter)
    out = reference(**setup_inputs())
    print(out.shape, out.dtype)

if __name__ == "__main__":
    import jax
    _d = setup_inputs()
    print(jax.jit(kernel)(*tuple(_d.values())))

</pallas_src>

<mosaic_0001>
module attributes {stable_mosaic.version = 14 : i64} {
  func.func @body(%arg0: memref<2048x259xf32, #tpu.memory_space<vmem>>, %arg1: memref<259x256xf32, #tpu.memory_space<vmem>>, %arg2: memref<1x256xf32, #tpu.memory_space<vmem>>, %arg3: memref<256x256xf32, #tpu.memory_space<vmem>>, %arg4: memref<1x256xf32, #tpu.memory_space<vmem>>, %arg5: memref<256x512xf32, #tpu.memory_space<vmem>>, %arg6: memref<1x512xf32, #tpu.memory_space<vmem>>, %arg7: memref<512x256xf32, #tpu.memory_space<vmem>>, %arg8: memref<1x256xf32, #tpu.memory_space<vmem>>, %arg9: memref<256x128xf32, #tpu.memory_space<vmem>>, %arg10: memref<1x128xf32, #tpu.memory_space<vmem>>, %arg11: memref<128x13xf32, #tpu.memory_space<vmem>>, %arg12: memref<1x13xf32, #tpu.memory_space<vmem>>, %arg13: memref<2x13xf32, #tpu.memory_space<vmem>>) attributes {dimension_semantics = [], scalar_prefetch = 0 : i64, scratch_operands = 0 : i64, tpu.core_type = #tpu.core_type<tc>} {
    %sqrt3A = arith.constant 1.000010e+00 : f32
    %sqrt3A_0 = math.sqrt %sqrt3A : f32
    %get3A = arith.constant 0 : index
    %get3A_1 = arith.constant 0 : index
    %get3A_2 = vector.load %arg0[%get3A, %get3A_1] : memref<2048x259xf32, #tpu.memory_space<vmem>>, vector<2048x259xf32>
    %get3A_3 = arith.constant 0 : index
    %get3A_4 = arith.constant 0 : index
    %get3A_5 = vector.load %arg1[%get3A_3, %get3A_4] : memref<259x256xf32, #tpu.memory_space<vmem>>, vector<259x256xf32>
    %dot_general3A = arith.constant dense<0.000000e+00> : vector<2048x256xf32>
    %dot_general3A_6 = tpu.matmul %get3A_2, %get3A_5, %dot_general3A {dimension_numbers = #tpu.dot_dimension_numbers<[1], [0], [0], [1], [0, 0, 1, 1], [], []>, transpose_lhs_hint = false} : vector<2048x259xf32>, vector<259x256xf32>, vector<2048x256xf32> -> vector<2048x256xf32>
    %get3A_7 = arith.constant 0 : index
    %get3A_8 = arith.constant 0 : index
    %get3A_9 = vector.load %arg2[%get3A_7, %get3A_8] : memref<1x256xf32, #tpu.memory_space<vmem>>, vector<1x256xf32>
    %add3A = vector.broadcast %get3A_9 : vector<1x256xf32> to vector<2048x256xf32>
    %add3A_10 = arith.addf %dot_general3A_6, %add3A : vector<2048x256xf32>
    %div3A = vector.broadcast %sqrt3A_0 : f32 to vector<2048x256xf32>
    %div3A_11 = arith.divf %add3A_10, %div3A : vector<2048x256xf32>
    %max3A = arith.constant 0.000000e+00 : f32
    %max3A_12 = vector.broadcast %max3A : f32 to vector<2048x256xf32>
    %max3A_13 = arith.maximumf %div3A_11, %max3A_12 : vector<2048x256xf32>
    %get3A_14 = arith.constant 0 : index
    %get3A_15 = arith.constant 0 : index
    %get3A_16 = vector.load %arg3[%get3A_14, %get3A_15] : memref<256x256xf32, #tpu.memory_space<vmem>>, vector<256x256xf32>
    %dot_general3A_17 = arith.constant dense<0.000000e+00> : vector<2048x256xf32>
    %dot_general3A_18 = tpu.matmul %max3A_13, %get3A_16, %dot_general3A_17 {dimension_numbers = #tpu.dot_dimension_numbers<[1], [0], [0], [1], [0, 0, 1, 1], [], []>, transpose_lhs_hint = false} : vector<2048x256xf32>, vector<256x256xf32>, vector<2048x256xf32> -> vector<2048x256xf32>
    %get3A_19 = arith.constant 0 : index
    %get3A_20 = arith.constant 0 : index
    %get3A_21 = vector.load %arg4[%get3A_19, %get3A_20] : memref<1x256xf32, #tpu.memory_space<vmem>>, vector<1x256xf32>
    %add3A_22 = vector.broadcast %get3A_21 : vector<1x256xf32> to vector<2048x256xf32>
    %add3A_23 = arith.addf %dot_general3A_18, %add3A_22 : vector<2048x256xf32>
    %div3A_24 = vector.broadcast %sqrt3A_0 : f32 to vector<2048x256xf32>
    %div3A_25 = arith.divf %add3A_23, %div3A_24 : vector<2048x256xf32>
    %max3A_26 = arith.constant 0.000000e+00 : f32
    %max3A_27 = vector.broadcast %max3A_26 : f32 to vector<2048x256xf32>
    %max3A_28 = arith.maximumf %div3A_25, %max3A_27 : vector<2048x256xf32>
    %get3A_29 = arith.constant 0 : index
    %get3A_30 = arith.constant 0 : index
    %get3A_31 = vector.load %arg5[%get3A_29, %get3A_30] : memref<256x512xf32, #tpu.memory_space<vmem>>, vector<256x512xf32>
    %dot_general3A_32 = arith.constant dense<0.000000e+00> : vector<2048x512xf32>
    %dot_general3A_33 = tpu.matmul %max3A_28, %get3A_31, %dot_general3A_32 {dimension_numbers = #tpu.dot_dimension_numbers<[1], [0], [0], [1], [0, 0, 1, 1], [], []>, transpose_lhs_hint = false} : vector<2048x256xf32>, vector<256x512xf32>, vector<2048x512xf32> -> vector<2048x512xf32>
    %get3A_34 = arith.constant 0 : index
    %get3A_35 = arith.constant 0 : index
    %get3A_36 = vector.load %arg6[%get3A_34, %get3A_35] : memref<1x512xf32, #tpu.memory_space<vmem>>, vector<1x512xf32>
    %add3A_37 = vector.broadcast %get3A_36 : vector<1x512xf32> to vector<2048x512xf32>
    %add3A_38 = arith.addf %dot_general3A_33, %add3A_37 : vector<2048x512xf32>
    %slice3A = vector.extract_strided_slice %add3A_38 {offsets = [0, 0], sizes = [1024, 512], strides = [1, 1]} : vector<2048x512xf32> to vector<1024x512xf32>
    %reduce_max3A = arith.constant dense<0xFF800000> : vector<512xf32>
    %reduce_max3A_39 = vector.multi_reduction <maximumf>, %slice3A, %reduce_max3A [0] : vector<1024x512xf32> to vector<512xf32>
    %broadcast_in_dim3A = vector.shape_cast %reduce_max3A_39 : vector<512xf32> to vector<1x512xf32>
    %slice3A_40 = vector.extract_strided_slice %add3A_38 {offsets = [1024, 0], sizes = [1024, 512], strides = [1, 1]} : vector<2048x512xf32> to vector<1024x512xf32>
    %reduce_max3A_41 = arith.constant dense<0xFF800000> : vector<512xf32>
    %reduce_max3A_42 = vector.multi_reduction <maximumf>, %slice3A_40, %reduce_max3A_41 [0] : vector<1024x512xf32> to vector<512xf32>
    %broadcast_in_dim3A_43 = vector.shape_cast %reduce_max3A_42 : vector<512xf32> to vector<1x512xf32>
    %concatenate3A = tpu.concatenate %broadcast_in_dim3A, %broadcast_in_dim3A_43 in 0 : vector<1x512xf32>, vector<1x512xf32> -> vector<2x512xf32>
    %get3A_44 = arith.constant 0 : index
    %get3A_45 = arith.constant 0 : index
    %get3A_46 = vector.load %arg7[%get3A_44, %get3A_45] : memref<512x256xf32, #tpu.memory_space<vmem>>, vector<512x256xf32>
    %dot_general3A_47 = arith.constant dense<0.000000e+00> : vector<2x256xf32>
    %dot_general3A_48 = tpu.matmul %concatenate3A, %get3A_46, %dot_general3A_47 {dimension_numbers = #tpu.dot_dimension_numbers<[1], [0], [0], [1], [0, 0, 1, 1], [], []>, transpose_lhs_hint = false} : vector<2x512xf32>, vector<512x256xf32>, vector<2x256xf32> -> vector<2x256xf32>
    %get3A_49 = arith.constant 0 : index
    %get3A_50 = arith.constant 0 : index
    %get3A_51 = vector.load %arg8[%get3A_49, %get3A_50] : memref<1x256xf32, #tpu.memory_space<vmem>>, vector<1x256xf32>
    %add3A_52 = vector.broadcast %get3A_51 : vector<1x256xf32> to vector<2x256xf32>
    %add3A_53 = arith.addf %dot_general3A_48, %add3A_52 : vector<2x256xf32>
    %div3A_54 = vector.broadcast %sqrt3A_0 : f32 to vector<2x256xf32>
    %div3A_55 = arith.divf %add3A_53, %div3A_54 : vector<2x256xf32>
    %max3A_56 = arith.constant 0.000000e+00 : f32
    %max3A_57 = vector.broadcast %max3A_56 : f32 to vector<2x256xf32>
    %max3A_58 = arith.maximumf %div3A_55, %max3A_57 : vector<2x256xf32>
    %get3A_59 = arith.constant 0 : index
    %get3A_60 = arith.constant 0 : index
    %get3A_61 = vector.load %arg9[%get3A_59, %get3A_60] : memref<256x128xf32, #tpu.memory_space<vmem>>, vector<256x128xf32>
    %dot_general3A_62 = arith.constant dense<0.000000e+00> : vector<2x128xf32>
    %dot_general3A_63 = tpu.matmul %max3A_58, %get3A_61, %dot_general3A_62 {dimension_numbers = #tpu.dot_dimension_numbers<[1], [0], [0], [1], [0, 0, 1, 1], [], []>, transpose_lhs_hint = false} : vector<2x256xf32>, vector<256x128xf32>, vector<2x128xf32> -> vector<2x128xf32>
    %get3A_64 = arith.constant 0 : index
    %get3A_65 = arith.constant 0 : index
    %get3A_66 = vector.load %arg10[%get3A_64, %get3A_65] : memref<1x128xf32, #tpu.memory_space<vmem>>, vector<1x128xf32>
    %add3A_67 = vector.broadcast %get3A_66 : vector<1x128xf32> to vector<2x128xf32>
    %add3A_68 = arith.addf %dot_general3A_63, %add3A_67 : vector<2x128xf32>
    %div3A_69 = vector.broadcast %sqrt3A_0 : f32 to vector<2x128xf32>
    %div3A_70 = arith.divf %add3A_68, %div3A_69 : vector<2x128xf32>
    %max3A_71 = arith.constant 0.000000e+00 : f32
    %max3A_72 = vector.broadcast %max3A_71 : f32 to vector<2x128xf32>
    %max3A_73 = arith.maximumf %div3A_70, %max3A_72 : vector<2x128xf32>
    %get3A_74 = arith.constant 0 : index
    %get3A_75 = arith.constant 0 : index
    %get3A_76 = vector.load %arg11[%get3A_74, %get3A_75] : memref<128x13xf32, #tpu.memory_space<vmem>>, vector<128x13xf32>
    %dot_general3A_77 = arith.constant dense<0.000000e+00> : vector<2x13xf32>
    %dot_general3A_78 = tpu.matmul %max3A_73, %get3A_76, %dot_general3A_77 {dimension_numbers = #tpu.dot_dimension_numbers<[1], [0], [0], [1], [0, 0, 1, 1], [], []>, transpose_lhs_hint = false} : vector<2x128xf32>, vector<128x13xf32>, vector<2x13xf32> -> vector<2x13xf32>
    %get3A_79 = arith.constant 0 : index
    %get3A_80 = arith.constant 0 : index
    %get3A_81 = vector.load %arg12[%get3A_79, %get3A_80] : memref<1x13xf32, #tpu.memory_space<vmem>>, vector<1x13xf32>
    %add3A_82 = vector.broadcast %get3A_81 : vector<1x13xf32> to vector<2x13xf32>
    %add3A_83 = arith.addf %dot_general3A_78, %add3A_82 : vector<2x13xf32>
    %reduce_max3A_84 = arith.constant dense<0xFF800000> : vector<2xf32>
    %reduce_max3A_85 = vector.multi_reduction <maximumf>, %add3A_83, %reduce_max3A_84 [1] : vector<2x13xf32> to vector<2xf32>
    %broadcast_in_dim3A_86 = vector.shape_cast %reduce_max3A_85 : vector<2xf32> to vector<2x1xf32>
    %sub3A = vector.broadcast %broadcast_in_dim3A_86 : vector<2x1xf32> to vector<2x13xf32>
    %sub3A_87 = arith.subf %add3A_83, %sub3A : vector<2x13xf32>
    %exp3A = math.exp %sub3A_87 : vector<2x13xf32>
    %reduce_sum3A = arith.constant dense<0.000000e+00> : vector<2xf32>
    %reduce_sum3A_88 = vector.multi_reduction <add>, %exp3A, %reduce_sum3A [1] : vector<2x13xf32> to vector<2xf32>
    %broadcast_in_dim3A_89 = vector.shape_cast %reduce_sum3A_88 : vector<2xf32> to vector<2x1xf32>
    %log3A = math.log %broadcast_in_dim3A_89 : vector<2x1xf32>
    %sub3A_90 = vector.broadcast %log3A : vector<2x1xf32> to vector<2x13xf32>
    %sub3A_91 = arith.subf %sub3A_87, %sub3A_90 : vector<2x13xf32>
    %swap3A = arith.constant 0 : index
    %swap3A_92 = arith.constant 0 : index
    %swap3A_93 = vector.load %arg13[%swap3A, %swap3A_92] : memref<2x13xf32, #tpu.memory_space<vmem>>, vector<2x13xf32>
    tpu.vector_store %arg13[%swap3A, %swap3A_92], %sub3A_91 {strides = array<i32>} : memref<2x13xf32, #tpu.memory_space<vmem>>, vector<2x13xf32>,
    return
  }
}

</mosaic_0001>

<sc_bundles>
// kernel: gather_offload_async_start.1
scs
__scs_entry_jumppad:
0x0: {  	(pc) =	sbr.rel $0x88, $3  }
0x1: {  	(tag) =	ssettag $0x0;
	lr =	simm.s32 $0x1  }
0x2: {  	[smem:$0x3F87] =	sst lr;
	_ =	strace $0xD0000000  }
0x3: {  	_ = 	snop  }
0x4: {  	_ = 	snop  }
0x5: {  	_ = 	snop  }
0x6: {  	_ = 	snop  }
0x7: {  	_ = 	snop  }
__scs_overlays_trampoline_lowered:
0x8: {  	[smem:$0x3F96] =	sst s0  }
0x9: {  	[smem:$0x3F97] =	sst s1  }
0xa: {  	[smem:$0x3F98] =	sst s2  }
0xb: {  	[smem:$0x3F99] =	sst s3  }
0xc: {  	[smem:$0x3F9A] =	sst s4  }
0xd: {  	[smem:$0x3F9B] =	sst s5  }
0xe: {  	[smem:$0x3F9C] =	sst s6  }
0xf: {  	[smem:$0x3F9D] =	sst s7  }
0x10: {  	[smem:$0x3F9E] =	sst s8  }
0x11: {  	[smem:$0x3F9F] =	sst s9;
	s0 =	simm.s32 @!p0 $0x0  }
0x12: {  	s1 =	sld [smem:$0x3F85];
	s0 =	simm.s32 @p0 $0x1  }
0x13: {  	[smem:$0x3FA0] =	sst s0;
	s0 =	simm.s32 @!p1 $0x0  }
0x14: {  	s2 =	sld [smem:$0x3F84];
	s0 =	simm.s32 @p1 $0x1  }
0x15: {  	[smem:$0x3FA1] =	sst s0;
	s0 =	simm.s32 @!p2 $0x0  }
0x16: {  	s3 =	sld [smem:$0x3FDB];
	s0 =	simm.s32 @p2 $0x1  }
0x17: {  	s4 =	simm.s32 $0x1BF5;
	[smem:$0x3FA3] =	sst s0  }
0x18: {  	s0 =	sld [smem:$0x3F86];
	_ =	swait.ge [sflag:s4], $0x0  }
0x19: {  	s7 =	sld [smem:$0x3F87]  }
0x1a: {  	s8 =	sadd.s32 $0xFFFFE003, lr  }
0x1b: {  	s9 =	sadd.s32 $0xFFFFFEF7, lr;
	s5 =	simm.s32 $0xFFFFFFFF;
	p2 =	slt.u32 s8, $0xFFFFF086  }
0x1c: {  	p1 =	slt.u32 s9, $0xF7A;
	s5 =	simm.s32 @!p2 $0x0  }
0x1d: {  	s5 =	simm.s32 @p1 $0x1;
	p0 =	seq.s32 s7, s2  }
0x1e: {  	s7 =	smul.u32 @!p0 $0xF7A, s2;
	p2 =	seq.s32 @!p0 s5, $0x0  }
0x1f: {  	s9 =	smul.u32 $0xF7A, s1;
	s8 =	simm.s32 @!p0 $0x1BF5;
	p2 =	por !p2, p0  }
0x20: {  	[sflag:s8] =	ssyncset.s32 @!p0 $0xFFFFF086;
	s6 =	sadd.s32 @!p0 s3, s7;
	s7 =	simm.s32 @!p0 $0x108  }
0x21: {  	s3 =	sadd.s32 s3, s9;
	s6 =	sadd.s32 @!p0 $0x88, s6;
	s7 =	simm.s32 @p2 $0x1082  }
0x22: {  	[simem:s7], [sflag:s8] =	dma.local @!p0 [hbm:s6], $0xF7A  }
0x23: {  	s9 =	sor.u32 $0xD0000000, s2;
	s6 =	simm.s32 $0x108;
	_ =	swait.ge @!p0 [sflag:s8], $0x0  }
0x24: {  	s3 =	sadd.s32 $0x88, s3;
	s6 =	simm.s32 @!p1 $0x1082;
	[sflag:s4] =	ssyncset.s32 $0xFFFFF086  }
0x25: {  	[simem:s6], [sflag:s4] =	dma.local [hbm:s3], $0xF7A  }
0x26: {  	[smem:$0x3F87] =	sst s1;
	(tag) =	ssettag s2;
	_ =	strace s9  }
0x27: {  	s1 =	sld [smem:$0x3F97]  }
0x28: {  	s2 =	sld [smem:$0x3F98]  }
0x29: {  	s4 =	sld [smem:$0x3F9A]  }
0x2a: {  	p0 =	seq.s32 s5, $0x0;
	s5 =	sld [smem:$0x3F9B]  }
0x2b: {  	s6 =	sld [smem:$0x3F9C]  }
0x2c: {  	s7 =	sld [smem:$0x3F9D]  }
0x2d: {  	s3 =	simm.s32 $0x108;
	s8 =	sld [smem:$0x3F9E]  }
0x2e: {  	s3 =	simm.s32 @!p0 $0x1082;
	s9 =	sld [smem:$0x3F9F]  }
0x2f: {  	lr =	sadd.s32 s0, s3;
	s0 =	sld [smem:$0x3F96]  }
0x30: {  	s3 =	sld [smem:$0x3F99]  }
0x31: {  	[smem:$0x3FA2] =	sst s10  }
0x32: {  	s10 =	sld [smem:$0x3FA0];
	_ =	sdelay $0x3  }
0x33: {  	p0 =	seq.s32 s10, $0x1;
	s10 =	sld [smem:$0x3FA2];
	_ =	sdelay $0x3  }
0x34: {  	[smem:$0x3FA2] =	sst s10  }
0x35: {  	s10 =	sld [smem:$0x3FA1];
	_ =	sdelay $0x3  }
0x36: {  	p1 =	seq.s32 s10, $0x1;
	s10 =	sld [smem:$0x3FA2];
	_ =	sdelay $0x3  }
0x37: {  	[smem:$0x3FA2] =	sst s10  }
0x38: {  	s10 =	sld [smem:$0x3FA3]  }
0x39: {  	_ = 	snop;
	(pc) =	sbr.ind lr, $3  }
0x3a: {  	_ = 	snop  }
0x3b: {  	_ = 	snop  }
0x3c: {  	p2 =	seq.s32 s10, $0x1;
	s10 =	sld [smem:$0x3FA2]  }
0x3d: {  	_ =	shalt  }
0x3e: {  	_ =	shalt  }
0x3f: {  	_ =	shalt  }
0x40: {  	_ =	shalt  }
0x41: {  	_ =	shalt  }
0x42: {  	_ =	shalt  }
0x43: {  	_ =	shalt  }
0x44: {  	_ =	shalt  }
0x45: {  	_ =	shalt  }
0x46: {  	_ =	shalt  }
0x47: {  	_ =	shalt  }
0x48: {  	_ =	shalt  }
0x49: {  	_ =	shalt  }
0x4a: {  	_ =	shalt  }
0x4b: {  	_ =	shalt  }
0x4c: {  	_ =	shalt  }
0x4d: {  	_ =	shalt  }
0x4e: {  	_ =	shalt  }
0x4f: {  	_ =	shalt  }
0x50: {  	_ =	shalt  }
0x51: {  	_ =	shalt  }
0x52: {  	_ =	shalt  }
0x53: {  	_ =	shalt  }
0x54: {  	_ =	shalt  }
0x55: {  	_ =	shalt  }
0x56: {  	_ =	shalt  }
0x57: {  	_ =	shalt  }
0x58: {  	_ =	shalt  }
0x59: {  	_ =	shalt  }
0x5a: {  	_ =	shalt  }
0x5b: {  	_ =	shalt  }
0x5c: {  	_ =	shalt  }
0x5d: {  	_ =	shalt  }
0x5e: {  	_ =	shalt  }
0x5f: {  	_ =	shalt  }
0x60: {  	_ =	shalt  }
0x61: {  	_ =	shalt  }
0x62: {  	_ =	shalt  }
0x63: {  	_ =	shalt  }
0x64: {  	_ =	shalt  }
0x65: {  	_ =	shalt  }
0x66: {  	_ =	shalt  }
0x67: {  	_ =	shalt  }
0x68: {  	_ =	shalt  }
0x69: {  	_ =	shalt  }
0x6a: {  	_ =	shalt  }
0x6b: {  	_ =	shalt  }
0x6c: {  	_ =	shalt  }
0x6d: {  	_ =	shalt  }
0x6e: {  	_ =	shalt  }
0x6f: {  	_ =	shalt  }
0x70: {  	_ =	shalt  }
0x71: {  	_ =	shalt  }
0x72: {  	_ =	shalt  }
0x73: {  	_ =	shalt  }
0x74: {  	_ =	shalt  }
0x75: {  	_ =	shalt  }
0x76: {  	_ =	shalt  }
0x77: {  	_ =	shalt  }
0x78: {  	_ =	shalt  }
0x79: {  	_ =	shalt  }
0x7a: {  	_ =	shalt  }
0x7b: {  	_ =	shalt  }
0x7c: {  	_ =	shalt  }
0x7d: {  	_ =	shalt  }
0x7e: {  	_ =	shalt  }
0x7f: {  	_ =	shalt  }
0x80: {  	_ =	shalt  }
0x81: {  	_ =	shalt  }
0x82: {  	_ =	shalt  }
0x83: {  	_ =	shalt  }
0x84: {  	_ =	shalt  }
0x85: {  	_ =	shalt  }
0x86: {  	_ =	shalt  }
0x87: {  	_ =	shalt  }
.Lfunc_end0:
.L_simem_size_0:
called_computation.3_lowered:
.L_overlay_start_0:
0x88: {  	s2 =	sld [smem:$0x3FD9]  }
0x89: {  	s3 =	sld [smem:$0x3FFE];
	_ =	sdelay $0x1  }
0x8a: {  	s1 =	srdreg.scid  }
0x8b: {  	s0 =	sand.u32 $0x1, s1  }
0x8c: {  	s17 =	sshll.u32 s0, $0xA;
	s2 =	sadd.s32 s3, s2  }
0x8d: {  	s2 =	sadd.s32 s2, s17  }
0x8e: {  	[smem:$0x3FAE] =	sst s2  }
0x8f: {  	_ = 	snop  }
0x90: {  	s2 =	sld [smem:$0x3FC8];
	(tm) =	ssettm $0x1  }
0x91: {  	s18 =	sld [smem:$0x3FFB];
	_ =	sdelay $0x3  }
0x92: {  	_ =	strace s18  }
0x93: {  	s3 =	sld [smem:$0x3FFC];
	_ =	sdelay $0x3  }
0x94: {  	_ =	strace s3  }
0x95: {  	s3 =	sld [smem:$0x3FFD];
	_ =	sdelay $0x3  }
0x96: {  	_ =	strace s3  }
0x97: {  	_ =	strace $0x8FFFFFFF  }
0x98: {  	s19 =	sld [smem:$0x3FDB];
	_ =	sdelay $0x1  }
0x99: {  	s4 =	simm.s32 $_scs_section_size  }
0x9a: {  	s5 =	simm.s32 $_size__tile_overlayer_lowered;
	s6 =	simm.s32 $_tile_overlayer_lowered  }
0x9b: {  	s22 =	simm.s32 $0x1BFF;
	s21 =	sshll.u32 s6, $0x1;
	s3 =	sadd.s32 s4, s19  }
0x9c: {  	s7 =	simm.s32 $0x0;
	s20 =	sshll.u32 s5, $0x1;
	s5 =	sadd.s32 s21, s3  }
0x9d: {  	[timem:s7], [sflag:s22] =	dma.local [hbm:s5], s20  }
0x9e: {  	_ =	swait.ge [sflag:s22], s20  }
0x9f: {  	s4 =	ssub.s32 $0x0, s20;
	[sflag:s22] =	ssyncset.done $0x0  }
0xa0: {  	[sflag:s22] =	ssyncadd.s32 s4;
	_ =	sdelay $0x1  }
0xa1: {  	s23 =	simm.s32 $0x1B8B  }
0xa2: {  	_ =	swait.ge [sflag:s23], $0x1  }
0xa3: {  	[sflag:s23] =	ssyncset.done $0x0  }
0xa4: {  	s25 =	simm.s32 $0x1B8E;
	s24 =	sld [smem:$0x3FFE];
	[sflag:s23] =	ssyncadd.s32 $0xFFFFFFFF  }
0xa5: {  	s26 =	simm.s32 $execute0_lowered;
	[smem:$0x3FD2] =	sst s25  }
0xa6: {  	s5 =	sshll.u32 s26, $0x1;
	_ =	strace $0x80000049;
	[dreg:$0x1] =	wrdreg $0xFFFFFFFF  }
0xa7: {  	s28 =	simm.s32 $_size_execute0_lowered;
	s3 =	sadd.s32 s3, s5;
	[dreg:$0x0] =	wrdreg $0x0  }
0xa8: {  	s5 =	sshll.u32 s28, $0x1;
	[dreg:$0x2] =	wrdreg s3  }
0xa9: {  	[dreg:$0x3] =	wrdreg s5  }
0xaa: {  	[dreg:$0x4] =	wrdreg $0xC0  }
0xab: {  	_ =	task [dreg:s7], $0x5FFFF  }
0xac: {  	[dreg:$0x1] =	wrdreg $0xFFFFFFFF  }
0xad: {  	[dreg:$0x0] =	wrdreg $0x60  }
0xae: {  	[dreg:$0x2] =	wrdreg s2  }
0xaf: {  	[dreg:$0x3] =	wrdreg s24  }
0xb0: {  	[dreg:$0x4] =	wrdreg $0x9  }
0xb1: {  	_ =	task.clear_ibuf [dreg:s7], $0x5FFFF;
	_ =	strace $0x90000049  }
0xb2: {  	s29 =	simm.s32 $0x9;
	_ =	strace $0x8000004B  }
0xb3: {  	_ =	swait.ge [sflag:s29], $0x1  }
0xb4: {  	[sflag:s29] =	ssyncadd.s32 $0xFFFFFFFF  }
0xb5: {  	_ =	strace $0x9000004B  }
0xb6: {  	_ =	sfence  }
0xb7: {  	s30 =	sld [smem:$0x0];
	_ =	sdelay $0x2  }
0xb8: {  	s31 =	sshll.u32 s1, $0xD;
	s1 =	sshrl.u32 s1, $0x2  }
0xb9: {  	s3 =	sand.u32 $0x4000, s31;
	s1 =	sadd.s32 s1, s30  }
0xba: {  	s0 =	sor.u32 s3, s0;
	s1 =	sshll.u32 s1, $0x11  }
0xbb: {  	s0 =	sor.u32 s1, s0  }
0xbc: {  	s0 =	sadd.s32 $0x8F2B, s0  }
0xbd: {  	[sflag:s0] =	ssyncadd.remote.s32 $0x1  }
0xbe: {  	_ =	sfence.sel $0xFFFF  }
0xbf: {  	[dreg:$0x0] =	wrdreg $0xFFFFFFFF;
	(pc) =	sbr.abs _section_cstart, $3  }
0xc0: {  	[dreg:$0x1] =	wrdreg $0xFFFFFFFF  }
0xc1: {  	_ =	task.clear_ibuf [dreg:s7], $0x2FFFF;
	_ =	strace $0x9FFFFFFF  }
0xc2: {  	(tm) =	ssettm $0x7FFFFFFF  }
0xc3: {  	_ =	shalt  }
tec
execute0_lowered:
.L_overlay_start_1:
0x0: {  	(tag) =	ssettag $0x1  }
0x1: {  	s1 =	srdreg.scid;
	s2 =	rddreg [dreg:$0x0]  }
0x2: {  	s0 =	stileid.u32;
	s3 =	rddreg [dreg:$0x1]  }
0x3: {  	s6 =	simm.s32 $0x1;
	s9 =	simm.s32 $0x1;
	s1 =	sshll.u32 s1, $0x6  }
0x4: {  	s10 =	simm.s32 $0x3;
	s4 =	sshll.u32 s0, $0x7;
	s5 =	sand.u32 $0x40, s1  }
0x5: {  	s13 =	simm.s32 $0x0;
	s12 =	simm.s32 $0x0;
	s4 =	sor.u32 s4, s5  }
0x6: {  	s1 =	rddreg [dreg:$0x2];
	_ =	strace $0x8000004A;
	s8 =	ssub.s32 $0x1000, s4  }
.Ltmp0:
0x7: {  	s5 =	sadd.s32 $0x20800, s3;
	s7 =	sand.u32 $0x7C0, s8;
	(pc) =	sbr.rel .LBB2_1-.Ltmp0, $4  }
0x8: {  	[sflag:s6] =	ssyncpa.u1 $0x0;
	s11 =	smov.u32 s4;
	p0 =	sne.s32 s7, $0x0  }
0x9: {  	s8 =	sshrl.u32 s8, $0xB;
	s7 =	simm.s32 $0x2;
	s9 =	simm.s32 @!p0 $0x0  }
0xa: {  	[sflag:s7] =	ssyncpa.u1 $0x0;
	p0 =	por $0x0, $0x0;
	s8 =	sadd.s32 s9, s8  }
0xb: {  	vm0 =	vmmov $0xffff;
	[sflag:s10] =	ssyncpa.u1 $0x0;
	s10 =	simm.s32 $0x0;
	s9 =	sadd.s32 $0x1, s8  }
.LBB2_4:
0xc: {  	v2 =	vnsel vm1, $0x0, v2  }
0xd: {  	vm1 =	vgt.s32 v0, $0x0;
	v2 =	vmin.u32 v2, $0x1FFF  }
0xe: {  	v0 =	vnsel vm1, $0x0, v0  }
0xf: {  	v0 =	vmin.u32 v0, $0x1FFF  }
0x10: {  	[tilespmem:s15], [sflag:$0x1] =	stream.indirect_vreg.gather [hbm4b:s2+s10], $0x1, v1, vm0, $0x4038;
	[tilespmem:$0x100] =	vst v63  }
0x11: {  	(ifvalue) =	ssetifvalue $0x7FFFFFFF  }
0x12: {  	[tilespmem:s16], [sflag:$0x1] =	stream.indirect_vreg.gather [hbm4b:s2+s10], $0x1, v2, vm0, $0x4038;
	[tilespmem:$0x100] =	vst v63  }
0x13: {  	s29 =	sadd.s32 $0x10, s16;
	(ifvalue) =	ssetifvalue $0x7FFFFFFF  }
0x14: {  	[tilespmem:s29], [sflag:$0x1] =	stream.indirect_vreg.gather [hbm4b:s2+s10], $0x1, v0, vm0, $0x4038;
	[tilespmem:$0x100] =	vst v63  }
0x15: {  	_ =	swait.ge [sflag:s6], $0x40  }
0x16: {  	s30 =	sshrl.u32 s13, $0x3;
	[sflag:s6] =	ssyncset.done $0x0  }
0x17: {  	s31 =	sand.u32 $0x7, s13;
	s15 =	sadd.s32 s5, s30;
	[sflag:s6] =	ssyncadd.s32 $0xFFFFFFC0  }
0x18: {  	[hbm4b:s15+s31] =	stream.linear.scatter [tilespmem:s14], [sflag:$0x3], $0x40, $0x38;
	[tilespmem:$0x100] =	vst v63  }
.LBB2_5:
0x19: {  	s15 =	sadd.s32 $0x800, s11  }
0x1a: {  	p2 =	sgt.s32 s15, $0xFFF  }
0x1b: {  	s15 =	smov.u32 @p2 s4;
	p2 =	sne.s32 s12, s9  }
.Ltmp1:
0x1c: {  	p1 =	slt.u32 s12, $0x2;
	(pc) =	sbr.rel @!p2 .LBB2_6-.Ltmp1, $4  }
0x1d: {  	s14 =	simm.s32 @!p1 $0x3  }
0x1e: {  	s16 =	sadd.s32 $0x1, s12;
	_ =	swait.ge @!p1 [sflag:s14], $0x40  }
0x1f: {  	s13 =	smov.u32 s11;
	p0 =	por !p0, !p0;
	[sflag:s14] =	ssyncset.done @!p1 $0x0  }
0x20: {  	s12 =	smov.u32 s16;
	s11 =	smov.u32 s15;
	[sflag:s14] =	ssyncadd.s32 @!p1 $0xFFFFFFC0  }
.LBB2_1:
0x21: {  	p1 =	sge.u32 s12, s8  }
0x22: {  	s14 =	sxor.u32 @!p1 $0xFFFFFFFF, s12  }
0x23: {  	s31 =	sadd.s32 $0xFFFFFFFF, s12;
	s15 =	sshrl.u32 @!p1 s11, $0x3;
	s14 =	sshll.u32 @!p1 s14, $0x6  }
0x24: {  	s16 =	sand.u32 @!p1 $0x7, s11;
	s15 =	sadd.s32 @!p1 s3, s15;
	s14 =	sand.u32 @!p1 $0x40, s14  }
0x25: {  	[tilespmem:s14], [sflag:$0x2] =	stream.linear.gather @!p1 [hbm4b:s15+s16], $0x40, $0x38;
	[tilespmem:$0x100] =	vst v63  }
0x26: {  	p1 =	sge.u32 s31, s8  }
.Ltmp2:
0x27: {  	_ = 	snop;
	(pc) =	sbr.rel @p1 .LBB2_5-.Ltmp2, $1  }
0x28: {  	_ =	sdelay $0x3  }
0x29: {  	s14 =	simm.s32 $0x1  }
0x2a: {  	_ =	swait.ge [sflag:s7], $0x40;
	s14 =	simm.s32 @!p0 $0x0  }
0x2b: {  	[sflag:s7] =	ssyncset.done $0x0;
	s14 =	sshll.u32 s14, $0x6  }
0x2c: {  	[sflag:s7] =	ssyncadd.s32 $0xFFFFFFC0;
	(ifvalue) =	ssetifvalue $0x7FFFFFFF;
	v0 =	vld.msk [tilespmem:s14+$0x0 ss:$0x1], $0xffff;
	_ =	sdelay $0x4  }
0x2d: {  	s15 =	sadd.s32 $0x10, s14;
	vm1 =	vgt.s32 v0, $0x0  }
0x2e: {  	v2 =	vld.msk [tilespmem:s15+$0x0 ss:$0x1], $0xffff;
	v1 =	vnsel vm1, $0x0, v0  }
0x2f: {  	v1 =	vmin.u32 v1, $0x1FFF;
	_ =	sdelay $0x1  }
0x30: {  	s16 =	sshll.u32 s12, $0x6;
	s18 =	simm.s32 $0x20  }
0x31: {  	s16 =	sand.u32 $0x40, s16;
	s17 =	sadd.s32 $0x10, s15;
	s15 =	sor.u32 $0x80, s14  }
0x32: {  	s14 =	sor.u32 $0x80, s16;
	s16 =	sadd.s32 $0x10, s15;
	v0 =	vld.msk [tilespmem:s17+$0x0 ss:$0x1], $0xffff;
	vm1 =	vgt.s32 v2, $0x0;
	(ifvalue) =	ssetifvalue $0x7FFFFFFF  }
.LBB2_3:
0x33: {  	[tilespmem:s15], [sflag:$0x1] =	stream.indirect_vreg.gather [hbm4b:s2+s10], $0x1, v1, vm0, $0x4038;
	[tilespmem:$0x100] =	vst v63  }
0x34: {  	s18 =	sadd.s32 $0x10, s18  }
0x35: {  	v2 =	vnsel vm1, $0x0, v2;
	p1 =	slt.u32 s18, $0x30  }
.Ltmp3:
0x36: {  	s15 =	smov.u32 s16;
	v1 =	vmin.u32 v2, $0x1FFF;
	(pc) =	sbr.rel @p1 .LBB2_3-.Ltmp3, $3  }
0x37: {  	_ =	sdelay $0x1  }
0x38: {  	s17 =	sadd.s32 $0x10, s17  }
0x39: {  	vm1 =	vgt.s32 v0, $0x0;
	s16 =	sadd.s32 $0x10, s16;
	v2 =	vmov v0;
	(ifvalue) =	ssetifvalue $0x7FFFFFFF;
	v0 =	vld.msk [tilespmem:s17+$0x0 ss:$0x1], $0xffff  }
.Ltmp4:
0x3a: {  	_ = 	snop;
	(pc) =	sbr.rel .LBB2_4-.Ltmp4, $1  }
0x3b: {  	_ =	sdelay $0x3  }
.LBB2_6:
0x3c: {  	_ =	sfence.sel $0x180000  }
0x3d: {  	s2 =	simm.s32 $0x2;
	[bflag:$0x0] =	sbarrier.arrive $0xFFFF  }
0x3e: {  	s30 =	simm.s32 $0x3;
	[sflag:s2] =	ssyncpa.u1 $0x1  }
0x3f: {  	s31 =	simm.s32 $0x1;
	[sflag:s30] =	ssyncpa.u1 $0x1  }
0x40: {  	[sflag:s31] =	ssyncpa.u1 $0x1  }
0x41: {  	p0 =	sne.s32 s0, $0x0;
	_ =	strace $0x9000004A  }
0x42: {  	s0 =	sadd.s32 @!p0 $0x100000, s1;
	[bflag:$0x2] =	sbarrier.arrive $0xFFFF  }
0x43: {  	[sflag:s0] =	ssyncadd.tile.s32 @!p0 $0x1;
	_ =	shalt  }
.Lfunc_end2:
_tile_overlayer_lowered:
.L_overlay_start_2:
0x44: {  	(tag) =	ssettag $0x2  }
0x45: {  	s0 =	rddreg [dreg:$0x0];
	s2 =	stileid.u32  }
0x46: {  	s1 =	rddreg [dreg:$0x1];
	p0 =	sne.s32 s2, $0x0  }
0x47: {  	s3 =	rddreg [dreg:$0x2];
	[bflag:$0x3] =	sbarrier.arrive $0xFFFF;
	s2 =	simm.s32 @!p0 $0x1C01  }
0x48: {  	[timem:s3], [sflag:s2] =	dma.local @!p0 [hbm:s0], s1  }
0x49: {  	s0 =	simm.s32 @!p0 $0x1  }
0x4a: {  	_ =	swait.ge @!p0 [sflag:s0], s1  }
0x4b: {  	s1 =	ssub.s32 @!p0 $0x0, s1;
	[sflag:s0] =	ssyncset.done @!p0 $0x0  }
0x4c: {  	[sflag:s0] =	ssyncadd.s32 @!p0 s1  }
0x4d: {  	[bflag:$0x3] =	sbarrier.arrive $0xFFFF  }
0x4e: {  	_ =	shalt  }

// kernel: gather_offload_async_start.2
scs
__scs_entry_jumppad:
0x0: {  	(pc) =	sbr.rel $0x88, $3  }
0x1: {  	(tag) =	ssettag $0x0;
	lr =	simm.s32 $0x1  }
0x2: {  	[smem:$0x3F87] =	sst lr;
	_ =	strace $0xD0000000  }
0x3: {  	_ = 	snop  }
0x4: {  	_ = 	snop  }
0x5: {  	_ = 	snop  }
0x6: {  	_ = 	snop  }
0x7: {  	_ = 	snop  }
__scs_overlays_trampoline_lowered:
0x8: {  	[smem:$0x3F96] =	sst s0  }
0x9: {  	[smem:$0x3F97] =	sst s1  }
0xa: {  	[smem:$0x3F98] =	sst s2  }
0xb: {  	[smem:$0x3F99] =	sst s3  }
0xc: {  	[smem:$0x3F9A] =	sst s4  }
0xd: {  	[smem:$0x3F9B] =	sst s5  }
0xe: {  	[smem:$0x3F9C] =	sst s6  }
0xf: {  	[smem:$0x3F9D] =	sst s7  }
0x10: {  	[smem:$0x3F9E] =	sst s8  }
0x11: {  	[smem:$0x3F9F] =	sst s9;
	s0 =	simm.s32 @!p0 $0x0  }
0x12: {  	s1 =	sld [smem:$0x3F85];
	s0 =	simm.s32 @p0 $0x1  }
0x13: {  	[smem:$0x3FA0] =	sst s0;
	s0 =	simm.s32 @!p1 $0x0  }
0x14: {  	s2 =	sld [smem:$0x3F84];
	s0 =	simm.s32 @p1 $0x1  }
0x15: {  	[smem:$0x3FA1] =	sst s0;
	s0 =	simm.s32 @!p2 $0x0  }
0x16: {  	s3 =	sld [smem:$0x3FDB];
	s0 =	simm.s32 @p2 $0x1  }
0x17: {  	s4 =	simm.s32 $0x1BF5;
	[smem:$0x3FA3] =	sst s0  }
0x18: {  	s0 =	sld [smem:$0x3F86];
	_ =	swait.ge [sflag:s4], $0x0  }
0x19: {  	s7 =	sld [smem:$0x3F87]  }
0x1a: {  	s8 =	sadd.s32 $0xFFFFE003, lr  }
0x1b: {  	s9 =	sadd.s32 $0xFFFFFEF7, lr;
	s5 =	simm.s32 $0xFFFFFFFF;
	p2 =	slt.u32 s8, $0xFFFFF086  }
0x1c: {  	p1 =	slt.u32 s9, $0xF7A;
	s5 =	simm.s32 @!p2 $0x0  }
0x1d: {  	s5 =	simm.s32 @p1 $0x1;
	p0 =	seq.s32 s7, s2  }
0x1e: {  	s7 =	smul.u32 @!p0 $0xF7A, s2;
	p2 =	seq.s32 @!p0 s5, $0x0  }
0x1f: {  	s9 =	smul.u32 $0xF7A, s1;
	s8 =	simm.s32 @!p0 $0x1BF5;
	p2 =	por !p2, p0  }
0x20: {  	[sflag:s8] =	ssyncset.s32 @!p0 $0xFFFFF086;
	s6 =	sadd.s32 @!p0 s3, s7;
	s7 =	simm.s32 @!p0 $0x108  }
0x21: {  	s3 =	sadd.s32 s3, s9;
	s6 =	sadd.s32 @!p0 $0x88, s6;
	s7 =	simm.s32 @p2 $0x1082  }
0x22: {  	[simem:s7], [sflag:s8] =	dma.local @!p0 [hbm:s6], $0xF7A  }
0x23: {  	s9 =	sor.u32 $0xD0000000, s2;
	s6 =	simm.s32 $0x108;
	_ =	swait.ge @!p0 [sflag:s8], $0x0  }
0x24: {  	s3 =	sadd.s32 $0x88, s3;
	s6 =	simm.s32 @!p1 $0x1082;
	[sflag:s4] =	ssyncset.s32 $0xFFFFF086  }
0x25: {  	[simem:s6], [sflag:s4] =	dma.local [hbm:s3], $0xF7A  }
0x26: {  	[smem:$0x3F87] =	sst s1;
	(tag) =	ssettag s2;
	_ =	strace s9  }
0x27: {  	s1 =	sld [smem:$0x3F97]  }
0x28: {  	s2 =	sld [smem:$0x3F98]  }
0x29: {  	s4 =	sld [smem:$0x3F9A]  }
0x2a: {  	p0 =	seq.s32 s5, $0x0;
	s5 =	sld [smem:$0x3F9B]  }
0x2b: {  	s6 =	sld [smem:$0x3F9C]  }
0x2c: {  	s7 =	sld [smem:$0x3F9D]  }
0x2d: {  	s3 =	simm.s32 $0x108;
	s8 =	sld [smem:$0x3F9E]  }
0x2e: {  	s3 =	simm.s32 @!p0 $0x1082;
	s9 =	sld [smem:$0x3F9F]  }
0x2f: {  	lr =	sadd.s32 s0, s3;
	s0 =	sld [smem:$0x3F96]  }
0x30: {  	s3 =	sld [smem:$0x3F99]  }
0x31: {  	[smem:$0x3FA2] =	sst s10  }
0x32: {  	s10 =	sld [smem:$0x3FA0];
	_ =	sdelay $0x3  }
0x33: {  	p0 =	seq.s32 s10, $0x1;
	s10 =	sld [smem:$0x3FA2];
	_ =	sdelay $0x3  }
0x34: {  	[smem:$0x3FA2] =	sst s10  }
0x35: {  	s10 =	sld [smem:$0x3FA1];
	_ =	sdelay $0x3  }
0x36: {  	p1 =	seq.s32 s10, $0x1;
	s10 =	sld [smem:$0x3FA2];
	_ =	sdelay $0x3  }
0x37: {  	[smem:$0x3FA2] =	sst s10  }
0x38: {  	s10 =	sld [smem:$0x3FA3]  }
0x39: {  	_ = 	snop;
	(pc) =	sbr.ind lr, $3  }
0x3a: {  	_ = 	snop  }
0x3b: {  	_ = 	snop  }
0x3c: {  	p2 =	seq.s32 s10, $0x1;
	s10 =	sld [smem:$0x3FA2]  }
0x3d: {  	_ =	shalt  }
0x3e: {  	_ =	shalt  }
0x3f: {  	_ =	shalt  }
0x40: {  	_ =	shalt  }
0x41: {  	_ =	shalt  }
0x42: {  	_ =	shalt  }
0x43: {  	_ =	shalt  }
0x44: {  	_ =	shalt  }
0x45: {  	_ =	shalt  }
0x46: {  	_ =	shalt  }
0x47: {  	_ =	shalt  }
0x48: {  	_ =	shalt  }
0x49: {  	_ =	shalt  }
0x4a: {  	_ =	shalt  }
0x4b: {  	_ =	shalt  }
0x4c: {  	_ =	shalt  }
0x4d: {  	_ =	shalt  }
0x4e: {  	_ =	shalt  }
0x4f: {  	_ =	shalt  }
0x50: {  	_ =	shalt  }
0x51: {  	_ =	shalt  }
0x52: {  	_ =	shalt  }
0x53: {  	_ =	shalt  }
0x54: {  	_ =	shalt  }
0x55: {  	_ =	shalt  }
0x56: {  	_ =	shalt  }
0x57: {  	_ =	shalt  }
0x58: {  	_ =	shalt  }
0x59: {  	_ =	shalt  }
0x5a: {  	_ =	shalt  }
0x5b: {  	_ =	shalt  }
0x5c: {  	_ =	shalt  }
0x5d: {  	_ =	shalt  }
0x5e: {  	_ =	shalt  }
0x5f: {  	_ =	shalt  }
0x60: {  	_ =	shalt  }
0x61: {  	_ =	shalt  }
0x62: {  	_ =	shalt  }
0x63: {  	_ =	shalt  }
0x64: {  	_ =	shalt  }
0x65: {  	_ =	shalt  }
0x66: {  	_ =	shalt  }
0x67: {  	_ =	shalt  }
0x68: {  	_ =	shalt  }
0x69: {  	_ =	shalt  }
0x6a: {  	_ =	shalt  }
0x6b: {  	_ =	shalt  }
0x6c: {  	_ =	shalt  }
0x6d: {  	_ =	shalt  }
0x6e: {  	_ =	shalt  }
0x6f: {  	_ =	shalt  }
0x70: {  	_ =	shalt  }
0x71: {  	_ =	shalt  }
0x72: {  	_ =	shalt  }
0x73: {  	_ =	shalt  }
0x74: {  	_ =	shalt  }
0x75: {  	_ =	shalt  }
0x76: {  	_ =	shalt  }
0x77: {  	_ =	shalt  }
0x78: {  	_ =	shalt  }
0x79: {  	_ =	shalt  }
0x7a: {  	_ =	shalt  }
0x7b: {  	_ =	shalt  }
0x7c: {  	_ =	shalt  }
0x7d: {  	_ =	shalt  }
0x7e: {  	_ =	shalt  }
0x7f: {  	_ =	shalt  }
0x80: {  	_ =	shalt  }
0x81: {  	_ =	shalt  }
0x82: {  	_ =	shalt  }
0x83: {  	_ =	shalt  }
0x84: {  	_ =	shalt  }
0x85: {  	_ =	shalt  }
0x86: {  	_ =	shalt  }
0x87: {  	_ =	shalt  }
.Lfunc_end0:
.L_simem_size_0:
called_computation.4_lowered:
.L_overlay_start_0:
0x88: {  	s2 =	sld [smem:$0x3FD9]  }
0x89: {  	s3 =	sld [smem:$0x3FFE];
	_ =	sdelay $0x1  }
0x8a: {  	s1 =	srdreg.scid  }
0x8b: {  	s0 =	sand.u32 $0x1, s1  }
0x8c: {  	s17 =	sshll.u32 s0, $0xA;
	s2 =	sadd.s32 s3, s2  }
0x8d: {  	s2 =	sadd.s32 s2, s17  }
0x8e: {  	[smem:$0x3FAE] =	sst s2  }
0x8f: {  	_ = 	snop  }
0x90: {  	s2 =	sld [smem:$0x3FD0];
	(tm) =	ssettm $0x1  }
0x91: {  	s18 =	sld [smem:$0x3FFB];
	_ =	sdelay $0x3  }
0x92: {  	_ =	strace s18  }
0x93: {  	s3 =	sld [smem:$0x3FFC];
	_ =	sdelay $0x3  }
0x94: {  	_ =	strace s3  }
0x95: {  	s3 =	sld [smem:$0x3FFD];
	_ =	sdelay $0x3  }
0x96: {  	_ =	strace s3  }
0x97: {  	_ =	strace $0x8FFFFFFF  }
0x98: {  	s19 =	sld [smem:$0x3FDB];
	_ =	sdelay $0x1  }
0x99: {  	s4 =	simm.s32 $_scs_section_size  }
0x9a: {  	s5 =	simm.s32 $_size__tile_overlayer_lowered;
	s6 =	simm.s32 $_tile_overlayer_lowered  }
0x9b: {  	s22 =	simm.s32 $0x1BFF;
	s21 =	sshll.u32 s6, $0x1;
	s3 =	sadd.s32 s4, s19  }
0x9c: {  	s7 =	simm.s32 $0x0;
	s20 =	sshll.u32 s5, $0x1;
	s5 =	sadd.s32 s21, s3  }
0x9d: {  	[timem:s7], [sflag:s22] =	dma.local [hbm:s5], s20  }
0x9e: {  	_ =	swait.ge [sflag:s22], s20  }
0x9f: {  	s4 =	ssub.s32 $0x0, s20;
	[sflag:s22] =	ssyncset.done $0x0  }
0xa0: {  	[sflag:s22] =	ssyncadd.s32 s4;
	_ =	sdelay $0x1  }
0xa1: {  	s23 =	simm.s32 $0x1B8B  }
0xa2: {  	_ =	swait.ge [sflag:s23], $0x1  }
0xa3: {  	[sflag:s23] =	ssyncset.done $0x0  }
0xa4: {  	s25 =	simm.s32 $0x1B8E;
	s24 =	sld [smem:$0x3FFE];
	[sflag:s23] =	ssyncadd.s32 $0xFFFFFFFF  }
0xa5: {  	s26 =	simm.s32 $execute0_lowered;
	[smem:$0x3FD2] =	sst s25  }
0xa6: {  	s5 =	sshll.u32 s26, $0x1;
	_ =	strace $0x8000004C;
	[dreg:$0x1] =	wrdreg $0xFFFFFFFF  }
0xa7: {  	s28 =	simm.s32 $_size_execute0_lowered;
	s3 =	sadd.s32 s3, s5;
	[dreg:$0x0] =	wrdreg $0x0  }
0xa8: {  	s5 =	sshll.u32 s28, $0x1;
	[dreg:$0x2] =	wrdreg s3  }
0xa9: {  	[dreg:$0x3] =	wrdreg s5  }
0xaa: {  	[dreg:$0x4] =	wrdreg $0xC0  }
0xab: {  	_ =	task [dreg:s7], $0x5FFFF  }
0xac: {  	[dreg:$0x1] =	wrdreg $0xFFFFFFFF  }
0xad: {  	[dreg:$0x0] =	wrdreg $0x60  }
0xae: {  	[dreg:$0x2] =	wrdreg s24  }
0xaf: {  	[dreg:$0x3] =	wrdreg s2  }
0xb0: {  	[dreg:$0x4] =	wrdreg $0x9  }
0xb1: {  	_ =	task.clear_ibuf [dreg:s7], $0x5FFFF;
	_ =	strace $0x9000004C  }
0xb2: {  	s29 =	simm.s32 $0x9;
	_ =	strace $0x8000004E  }
0xb3: {  	_ =	swait.ge [sflag:s29], $0x1  }
0xb4: {  	[sflag:s29] =	ssyncadd.s32 $0xFFFFFFFF  }
0xb5: {  	_ =	strace $0x9000004E  }
0xb6: {  	_ =	sfence  }
0xb7: {  	s30 =	sld [smem:$0x0];
	_ =	sdelay $0x2  }
0xb8: {  	s31 =	sshll.u32 s1, $0xD;
	s1 =	sshrl.u32 s1, $0x2  }
0xb9: {  	s3 =	sand.u32 $0x4000, s31;
	s1 =	sadd.s32 s1, s30  }
0xba: {  	s0 =	sor.u32 s3, s0;
	s1 =	sshll.u32 s1, $0x11  }
0xbb: {  	s0 =	sor.u32 s1, s0  }
0xbc: {  	s0 =	sadd.s32 $0x8F2B, s0  }
0xbd: {  	[sflag:s0] =	ssyncadd.remote.s32 $0x1  }
0xbe: {  	_ =	sfence.sel $0xFFFF  }
0xbf: {  	[dreg:$0x0] =	wrdreg $0xFFFFFFFF;
	(pc) =	sbr.abs _section_cstart, $3  }
0xc0: {  	[dreg:$0x1] =	wrdreg $0xFFFFFFFF  }
0xc1: {  	_ =	task.clear_ibuf [dreg:s7], $0x2FFFF;
	_ =	strace $0x9FFFFFFF  }
0xc2: {  	(tm) =	ssettm $0x7FFFFFFF  }
0xc3: {  	_ =	shalt  }
tec
execute0_lowered:
.L_overlay_start_1:
0x0: {  	(tag) =	ssettag $0x1  }
0x1: {  	s2 =	rddreg [dreg:$0x0]  }
0x2: {  	s3 =	rddreg [dreg:$0x1]  }
0x3: {  	s0 =	rddreg [dreg:$0x2];
	s1 =	srdreg.scid;
	_ =	strace $0x8000004D  }
0x4: {  	s4 =	simm.s32 $0x1;
	s9 =	simm.s32 $0x3;
	s5 =	sshll.u32 s1, $0x4  }
.Ltmp0:
0x5: {  	s1 =	stileid.u32;
	s5 =	sand.u32 $0x10, s5;
	(pc) =	sbr.rel .LBB2_1-.Ltmp0, $4  }
0x6: {  	s12 =	simm.s32 $0x0;
	s10 =	simm.s32 $0x0;
	s6 =	sor.u32 s1, s5  }
0x7: {  	[sflag:s4] =	ssyncpa.u1 $0x0;
	s5 =	simm.s32 $0x2;
	s6 =	sshll.u32 s6, $0x6  }
0x8: {  	s7 =	sadd.s32 $0x200, s2;
	[sflag:s5] =	ssyncpa.u1 $0x0;
	s8 =	sadd.s32 $0x40, s6  }
0x9: {  	vm0 =	vmmov $0xff;
	vm1 =	vcmask $0x3F20;
	[sflag:s9] =	ssyncpa.u1 $0x0;
	s9 =	simm.s32 $0x40;
	s11 =	smov.u32 s6  }
.LBB2_9:
0xa: {  	p0 =	seq.s32 s10, $0x2  }
.Ltmp1:
0xb: {  	_ = 	snop;
	(pc) =	sbr.rel @p0 .LBB2_11-.Ltmp1, $1  }
0xc: {  	_ =	sdelay $0x3  }
.LBB2_10:
0xd: {  	s12 =	sadd.s32 $0x40, s11  }
0xe: {  	s13 =	smov.u32 s6;
	p0 =	slt.s32 s12, s8  }
0xf: {  	s13 =	smov.u32 @p0 s12  }
0x10: {  	s10 =	sadd.s32 $0x1, s10;
	s12 =	smov.u32 s11;
	s11 =	smov.u32 s13  }
.LBB2_1:
0x11: {  	p0 =	sne.s32 s10, $0x0  }
.Ltmp2:
0x12: {  	_ = 	snop;
	(pc) =	sbr.rel @!p0 .LBB2_2-.Ltmp2, $1  }
0x13: {  	_ =	sdelay $0x3  }
0x14: {  	s13 =	sand.u32 $0x1, s10  }
0x15: {  	p0 =	seq.s32 s13, $0x0  }
.Ltmp3:
0x16: {  	_ = 	snop;
	(pc) =	sbr.rel @p0 .LBB2_9-.Ltmp3, $1  }
0x17: {  	_ =	sdelay $0x3  }
0x18: {  	_ =	swait.ge [sflag:s5], $0x40  }
0x19: {  	[sflag:s5] =	ssyncset.done $0x0  }
0x1a: {  	s13 =	simm.s32 $0x0;
	[sflag:s5] =	ssyncadd.s32 $0xFFFFFFC0  }
0x1b: {  	v0 =	vld.msk [tilespmem:s13+$0x40 ss:$0x1], $0xffff;
	_ =	sdelay $0x4  }
0x1c: {  	vm2 =	vgt.s32 v0, $0x0  }
0x1d: {  	v0 =	vnsel vm2, $0x0, v0  }
0x1e: {  	v0 =	vmin.u32 v0, $0xFFF  }
0x1f: {  	v0 =	vshll.u32 v0, $0x4;
	_ =	sdelay $0x3  }
0x20: {  	s13 =	simm.s32 $0x2080  }
0x21: {  	[tilespmem:s13], [sflag:$0x1] =	stream.indirect_vreg.gather [hbm:s7], $0x80, v0, vm0, $0x38;
	[tilespmem:$0x4080] =	vst v63  }
0x22: {  	s14 =	simm.s32 $0x2480;
	s31 =	simm.s32 $0x10  }
0x23: {  	[tilespmem:s14], [sflag:$0x1] =	stream.indirect_vreg.gather [hbm:s7], $0x80, v0, vm1, $0x38;
	[tilespmem:$0x4080] =	vst v63  }
0x24: {  	s14 =	simm.s32 $0x80;
	v0 =	vld.msk [tilespmem:s31+$0x40 ss:$0x1], $0xffff  }
.LBB2_5:
0x25: {  	p0 =	sne.s32 s14, $0xC0;
	_ =	sdelay $0x4  }
0x26: {  	vm2 =	vgt.s32 v0, $0x0  }
0x27: {  	v0 =	vnsel vm2, $0x0, v0  }
0x28: {  	v0 =	vmin.u32 v0, $0xFFF  }
0x29: {  	v0 =	vshll.u32 v0, $0x4;
	_ =	sdelay $0x3  }
.Ltmp4:
0x2a: {  	s13 =	sadd.s32 $0x800, s13;
	(pc) =	sbr.rel @p0 .LBB2_5-.Ltmp4, $4  }
0x2b: {  	[tilespmem:s13], [sflag:$0x1] =	stream.indirect_vreg.gather [hbm:s7], $0x80, v0, vm0, $0x38;
	[tilespmem:$0x4080] =	vst v63  }
0x2c: {  	s15 =	sshra.s32 s14, $0x2;
	s16 =	sadd.s32 $0x400, s13  }
0x2d: {  	[tilespmem:s16], [sflag:$0x1] =	stream.indirect_vreg.gather [hbm:s7], $0x80, v0, vm1, $0x38;
	[tilespmem:$0x4080] =	vst v63  }
0x2e: {  	s14 =	sadd.s32 $0x40, s14;
	v0 =	vld.msk [tilespmem:s15+$0x40 ss:$0x1], $0xffff  }
0x2f: {  	_ =	sdelay $0x3  }
0x30: {  	vm2 =	vgt.s32 v0, $0x0  }
0x31: {  	v0 =	vnsel vm2, $0x0, v0  }
0x32: {  	v0 =	vmin.u32 v0, $0xFFF  }
0x33: {  	v0 =	vshll.u32 v0, $0x4;
	_ =	sdelay $0x3  }
0x34: {  	s13 =	sadd.s32 $0x800, s13  }
0x35: {  	[tilespmem:s13], [sflag:$0x1] =	stream.indirect_vreg.gather [hbm:s7], $0x80, v0, vm0, $0x38;
	[tilespmem:$0x4080] =	vst v63  }
0x36: {  	s13 =	sadd.s32 $0x400, s13  }
0x37: {  	[tilespmem:s13], [sflag:$0x1] =	stream.indirect_vreg.gather [hbm:s7], $0x80, v0, vm1, $0x38;
	[tilespmem:$0x4080] =	vst v63  }
0x38: {  	s12 =	sshll.u32 s12, $0x4;
	s14 =	simm.s32 $0x80;
	_ =	swait.ge [sflag:s4], $0x2000  }
0x39: {  	s15 =	simm.s32 $0x2480;
	s12 =	sadd.s32 s12, s3;
	[sflag:s4] =	ssyncset.done $0x0  }
0x3a: {  	s16 =	sadd.s32 $0x0, s12;
	s13 =	simm.s32 $0x2080;
	[sflag:s4] =	ssyncadd.s32 $0xFFFFE000  }
.LBB2_7:
0x3b: {  	[hbm:s16] =	stream.linear.scatter [tilespmem:s13], [sflag:$0x3], $0x400, $0x38;
	[tilespmem:$0x4080] =	vst v63  }
0x3c: {  	s16 =	smov.u32 s14;
	s13 =	smov.u32 s15;
	p0 =	sne.s32 s14, $0x380  }
.Ltmp5:
0x3d: {  	s14 =	sadd.s32 $0x80, s14;
	(pc) =	sbr.rel @p0 .LBB2_7-.Ltmp5, $2  }
0x3e: {  	_ =	sdelay $0x2  }
0x3f: {  	s15 =	sadd.s32 $0x400, s15;
	s16 =	sadd.s32 s16, s12  }
.Ltmp6:
0x40: {  	(pc) =	sbr.rel .LBB2_9-.Ltmp6, $2  }
0x41: {  	_ =	sdelay $0x2  }
0x42: {  	[hbm:s16] =	stream.linear.scatter [tilespmem:s13], [sflag:$0x3], $0x400, $0x38;
	[tilespmem:$0x4080] =	vst v63  }
.LBB2_2:
.Ltmp7:
0x43: {  	(pc) =	sbr.rel .LBB2_10-.Ltmp7, $4  }
0x44: {  	_ = 	snop  }
0x45: {  	s12 =	sshrl.u32 s11, $0x3  }
0x46: {  	s13 =	sand.u32 $0x7, s11;
	s12 =	sadd.s32 s2, s12  }
0x47: {  	[tilespmem:s9], [sflag:$0x2] =	stream.linear.gather [hbm4b:s12+s13], $0x40, $0x38;
	[tilespmem:$0x4080] =	vst v63  }
.LBB2_11:
0x48: {  	s2 =	simm.s32 $0x3  }
0x49: {  	_ =	swait.ge [sflag:s2], $0x2000  }
0x4a: {  	[sflag:s2] =	ssyncset.done $0x0  }
0x4b: {  	[sflag:s2] =	ssyncadd.s32 $0xFFFFE000  }
0x4c: {  	_ =	sfence.sel $0x180000  }
0x4d: {  	s3 =	simm.s32 $0x2;
	[bflag:$0x0] =	sbarrier.arrive $0xFFFF  }
0x4e: {  	[sflag:s3] =	ssyncpa.u1 $0x1  }
0x4f: {  	s31 =	simm.s32 $0x1;
	[sflag:s2] =	ssyncpa.u1 $0x1  }
0x50: {  	[sflag:s31] =	ssyncpa.u1 $0x1  }
0x51: {  	p0 =	sne.s32 s1, $0x0;
	_ =	strace $0x9000004D  }
0x52: {  	s0 =	sadd.s32 @!p0 $0x100000, s0;
	[bflag:$0x2] =	sbarrier.arrive $0xFFFF  }
0x53: {  	[sflag:s0] =	ssyncadd.tile.s32 @!p0 $0x1;
	_ =	shalt  }
.Lfunc_end2:
_tile_overlayer_lowered:
.L_overlay_start_2:
0x54: {  	(tag) =	ssettag $0x2  }
0x55: {  	s0 =	rddreg [dreg:$0x0];
	s2 =	stileid.u32  }
0x56: {  	s1 =	rddreg [dreg:$0x1];
	p0 =	sne.s32 s2, $0x0  }
0x57: {  	s3 =	rddreg [dreg:$0x2];
	[bflag:$0x3] =	sbarrier.arrive $0xFFFF;
	s2 =	simm.s32 @!p0 $0x1C01  }
0x58: {  	[timem:s3], [sflag:s2] =	dma.local @!p0 [hbm:s0], s1  }
0x59: {  	s0 =	simm.s32 @!p0 $0x1  }
0x5a: {  	_ =	swait.ge @!p0 [sflag:s0], s1  }
0x5b: {  	s1 =	ssub.s32 @!p0 $0x0, s1;
	[sflag:s0] =	ssyncset.done @!p0 $0x0  }
0x5c: {  	[sflag:s0] =	ssyncadd.s32 @!p0 s1  }
0x5d: {  	[bflag:$0x3] =	sbarrier.arrive $0xFFFF  }
0x5e: {  	_ =	shalt  }

// kernel: gather_offload_async_start.3
scs
__scs_entry_jumppad:
0x0: {  	(pc) =	sbr.rel $0x88, $3  }
0x1: {  	(tag) =	ssettag $0x0;
	lr =	simm.s32 $0x1  }
0x2: {  	[smem:$0x3F87] =	sst lr;
	_ =	strace $0xD0000000  }
0x3: {  	_ = 	snop  }
0x4: {  	_ = 	snop  }
0x5: {  	_ = 	snop  }
0x6: {  	_ = 	snop  }
0x7: {  	_ = 	snop  }
__scs_overlays_trampoline_lowered:
0x8: {  	[smem:$0x3F96] =	sst s0  }
0x9: {  	[smem:$0x3F97] =	sst s1  }
0xa: {  	[smem:$0x3F98] =	sst s2  }
0xb: {  	[smem:$0x3F99] =	sst s3  }
0xc: {  	[smem:$0x3F9A] =	sst s4  }
0xd: {  	[smem:$0x3F9B] =	sst s5  }
0xe: {  	[smem:$0x3F9C] =	sst s6  }
0xf: {  	[smem:$0x3F9D] =	sst s7  }
0x10: {  	[smem:$0x3F9E] =	sst s8  }
0x11: {  	[smem:$0x3F9F] =	sst s9;
	s0 =	simm.s32 @!p0 $0x0  }
0x12: {  	s1 =	sld [smem:$0x3F85];
	s0 =	simm.s32 @p0 $0x1  }
0x13: {  	[smem:$0x3FA0] =	sst s0;
	s0 =	simm.s32 @!p1 $0x0  }
0x14: {  	s2 =	sld [smem:$0x3F84];
	s0 =	simm.s32 @p1 $0x1  }
0x15: {  	[smem:$0x3FA1] =	sst s0;
	s0 =	simm.s32 @!p2 $0x0  }
0x16: {  	s3 =	sld [smem:$0x3FDB];
	s0 =	simm.s32 @p2 $0x1  }
0x17: {  	s4 =	simm.s32 $0x1BF5;
	[smem:$0x3FA3] =	sst s0  }
0x18: {  	s0 =	sld [smem:$0x3F86];
	_ =	swait.ge [sflag:s4], $0x0  }
0x19: {  	s7 =	sld [smem:$0x3F87]  }
0x1a: {  	s8 =	sadd.s32 $0xFFFFE003, lr  }
0x1b: {  	s9 =	sadd.s32 $0xFFFFFEF7, lr;
	s5 =	simm.s32 $0xFFFFFFFF;
	p2 =	slt.u32 s8, $0xFFFFF086  }
0x1c: {  	p1 =	slt.u32 s9, $0xF7A;
	s5 =	simm.s32 @!p2 $0x0  }
0x1d: {  	s5 =	simm.s32 @p1 $0x1;
	p0 =	seq.s32 s7, s2  }
0x1e: {  	s7 =	smul.u32 @!p0 $0xF7A, s2;
	p2 =	seq.s32 @!p0 s5, $0x0  }
0x1f: {  	s9 =	smul.u32 $0xF7A, s1;
	s8 =	simm.s32 @!p0 $0x1BF5;
	p2 =	por !p2, p0  }
0x20: {  	[sflag:s8] =	ssyncset.s32 @!p0 $0xFFFFF086;
	s6 =	sadd.s32 @!p0 s3, s7;
	s7 =	simm.s32 @!p0 $0x108  }
0x21: {  	s3 =	sadd.s32 s3, s9;
	s6 =	sadd.s32 @!p0 $0x88, s6;
	s7 =	simm.s32 @p2 $0x1082  }
0x22: {  	[simem:s7], [sflag:s8] =	dma.local @!p0 [hbm:s6], $0xF7A  }
0x23: {  	s9 =	sor.u32 $0xD0000000, s2;
	s6 =	simm.s32 $0x108;
	_ =	swait.ge @!p0 [sflag:s8], $0x0  }
0x24: {  	s3 =	sadd.s32 $0x88, s3;
	s6 =	simm.s32 @!p1 $0x1082;
	[sflag:s4] =	ssyncset.s32 $0xFFFFF086  }
0x25: {  	[simem:s6], [sflag:s4] =	dma.local [hbm:s3], $0xF7A  }
0x26: {  	[smem:$0x3F87] =	sst s1;
	(tag) =	ssettag s2;
	_ =	strace s9  }
0x27: {  	s1 =	sld [smem:$0x3F97]  }
0x28: {  	s2 =	sld [smem:$0x3F98]  }
0x29: {  	s4 =	sld [smem:$0x3F9A]  }
0x2a: {  	p0 =	seq.s32 s5, $0x0;
	s5 =	sld [smem:$0x3F9B]  }
0x2b: {  	s6 =	sld [smem:$0x3F9C]  }
0x2c: {  	s7 =	sld [smem:$0x3F9D]  }
0x2d: {  	s3 =	simm.s32 $0x108;
	s8 =	sld [smem:$0x3F9E]  }
0x2e: {  	s3 =	simm.s32 @!p0 $0x1082;
	s9 =	sld [smem:$0x3F9F]  }
0x2f: {  	lr =	sadd.s32 s0, s3;
	s0 =	sld [smem:$0x3F96]  }
0x30: {  	s3 =	sld [smem:$0x3F99]  }
0x31: {  	[smem:$0x3FA2] =	sst s10  }
0x32: {  	s10 =	sld [smem:$0x3FA0];
	_ =	sdelay $0x3  }
0x33: {  	p0 =	seq.s32 s10, $0x1;
	s10 =	sld [smem:$0x3FA2];
	_ =	sdelay $0x3  }
0x34: {  	[smem:$0x3FA2] =	sst s10  }
0x35: {  	s10 =	sld [smem:$0x3FA1];
	_ =	sdelay $0x3  }
0x36: {  	p1 =	seq.s32 s10, $0x1;
	s10 =	sld [smem:$0x3FA2];
	_ =	sdelay $0x3  }
0x37: {  	[smem:$0x3FA2] =	sst s10  }
0x38: {  	s10 =	sld [smem:$0x3FA3]  }
0x39: {  	_ = 	snop;
	(pc) =	sbr.ind lr, $3  }
0x3a: {  	_ = 	snop  }
0x3b: {  	_ = 	snop  }
0x3c: {  	p2 =	seq.s32 s10, $0x1;
	s10 =	sld [smem:$0x3FA2]  }
0x3d: {  	_ =	shalt  }
0x3e: {  	_ =	shalt  }
0x3f: {  	_ =	shalt  }
0x40: {  	_ =	shalt  }
0x41: {  	_ =	shalt  }
0x42: {  	_ =	shalt  }
0x43: {  	_ =	shalt  }
0x44: {  	_ =	shalt  }
0x45: {  	_ =	shalt  }
0x46: {  	_ =	shalt  }
0x47: {  	_ =	shalt  }
0x48: {  	_ =	shalt  }
0x49: {  	_ =	shalt  }
0x4a: {  	_ =	shalt  }
0x4b: {  	_ =	shalt  }
0x4c: {  	_ =	shalt  }
0x4d: {  	_ =	shalt  }
0x4e: {  	_ =	shalt  }
0x4f: {  	_ =	shalt  }
0x50: {  	_ =	shalt  }
0x51: {  	_ =	shalt  }
0x52: {  	_ =	shalt  }
0x53: {  	_ =	shalt  }
0x54: {  	_ =	shalt  }
0x55: {  	_ =	shalt  }
0x56: {  	_ =	shalt  }
0x57: {  	_ =	shalt  }
0x58: {  	_ =	shalt  }
0x59: {  	_ =	shalt  }
0x5a: {  	_ =	shalt  }
0x5b: {  	_ =	shalt  }
0x5c: {  	_ =	shalt  }
0x5d: {  	_ =	shalt  }
0x5e: {  	_ =	shalt  }
0x5f: {  	_ =	shalt  }
0x60: {  	_ =	shalt  }
0x61: {  	_ =	shalt  }
0x62: {  	_ =	shalt  }
0x63: {  	_ =	shalt  }
0x64: {  	_ =	shalt  }
0x65: {  	_ =	shalt  }
0x66: {  	_ =	shalt  }
0x67: {  	_ =	shalt  }
0x68: {  	_ =	shalt  }
0x69: {  	_ =	shalt  }
0x6a: {  	_ =	shalt  }
0x6b: {  	_ =	shalt  }
0x6c: {  	_ =	shalt  }
0x6d: {  	_ =	shalt  }
0x6e: {  	_ =	shalt  }
0x6f: {  	_ =	shalt  }
0x70: {  	_ =	shalt  }
0x71: {  	_ =	shalt  }
0x72: {  	_ =	shalt  }
0x73: {  	_ =	shalt  }
0x74: {  	_ =	shalt  }
0x75: {  	_ =	shalt  }
0x76: {  	_ =	shalt  }
0x77: {  	_ =	shalt  }
0x78: {  	_ =	shalt  }
0x79: {  	_ =	shalt  }
0x7a: {  	_ =	shalt  }
0x7b: {  	_ =	shalt  }
0x7c: {  	_ =	shalt  }
0x7d: {  	_ =	shalt  }
0x7e: {  	_ =	shalt  }
0x7f: {  	_ =	shalt  }
0x80: {  	_ =	shalt  }
0x81: {  	_ =	shalt  }
0x82: {  	_ =	shalt  }
0x83: {  	_ =	shalt  }
0x84: {  	_ =	shalt  }
0x85: {  	_ =	shalt  }
0x86: {  	_ =	shalt  }
0x87: {  	_ =	shalt  }
.Lfunc_end0:
.L_simem_size_0:
called_computation.5_lowered:
.L_overlay_start_0:
0x88: {  	s2 =	sld [smem:$0x3FD9]  }
0x89: {  	s3 =	sld [smem:$0x3FFE];
	_ =	sdelay $0x1  }
0x8a: {  	s1 =	srdreg.scid  }
0x8b: {  	s0 =	sand.u32 $0x1, s1  }
0x8c: {  	s17 =	sshll.u32 s0, $0xA;
	s2 =	sadd.s32 s3, s2  }
0x8d: {  	s2 =	sadd.s32 s2, s17  }
0x8e: {  	[smem:$0x3FAE] =	sst s2  }
0x8f: {  	_ = 	snop  }
0x90: {  	(tm) =	ssettm $0x1  }
0x91: {  	s18 =	sld [smem:$0x3FFB];
	_ =	sdelay $0x3  }
0x92: {  	_ =	strace s18  }
0x93: {  	s2 =	sld [smem:$0x3FFC];
	_ =	sdelay $0x3  }
0x94: {  	_ =	strace s2  }
0x95: {  	s2 =	sld [smem:$0x3FFD];
	_ =	sdelay $0x3  }
0x96: {  	_ =	strace s2  }
0x97: {  	_ =	strace $0x8FFFFFFF  }
0x98: {  	s19 =	sld [smem:$0x3FDB];
	_ =	sdelay $0x1  }
0x99: {  	s20 =	simm.s32 $_scs_section_size  }
0x9a: {  	s4 =	simm.s32 $_size__tile_overlayer_lowered;
	s5 =	simm.s32 $_tile_overlayer_lowered  }
0x9b: {  	s6 =	simm.s32 $0x1BFF;
	s21 =	sshll.u32 s5, $0x1;
	s3 =	sadd.s32 s20, s19  }
0x9c: {  	s22 =	simm.s32 $0x0;
	s4 =	sshll.u32 s4, $0x1;
	s5 =	sadd.s32 s21, s3  }
0x9d: {  	[timem:s22], [sflag:s6] =	dma.local [hbm:s5], s4  }
0x9e: {  	_ =	swait.ge [sflag:s6], s4  }
0x9f: {  	s4 =	ssub.s32 $0x0, s4;
	[sflag:s6] =	ssyncset.done $0x0  }
0xa0: {  	[sflag:s6] =	ssyncadd.s32 s4;
	_ =	sdelay $0x1  }
0xa1: {  	s23 =	simm.s32 $0x1B8B  }
0xa2: {  	_ =	swait.ge [sflag:s23], $0x1  }
0xa3: {  	[sflag:s23] =	ssyncset.done $0x0  }
0xa4: {  	[sflag:s23] =	ssyncadd.s32 $0xFFFFFFFF  }
0xa5: {  	s4 =	sld [smem:$0x0]  }
0xa6: {  	s5 =	sand.u32 $0xFFFFFFFE, s1  }
0xa7: {  	p0 =	sne.s32 s1, s5  }
0xa8: {  	s5 =	sshll.u32 @p0 s5, $0xE  }
0xa9: {  	s5 =	sadd.s32 @p0 $0x11B8D, s5;
	s6 =	sshll.u32 @p0 s4, $0x11  }
0xaa: {  	s5 =	sor.u32 @p0 s6, s5  }
0xab: {  	[sflag:s5] =	ssyncadd.remote.s32 @p0 $0x1;
	_ =	sdelay $0x1  }
0xac: {  	s5 =	simm.s32 @p0 $0x1B8D  }
0xad: {  	_ =	swait.eq @p0 [sflag:s5], $0x1  }
0xae: {  	[sflag:s5] =	ssyncadd.s32 @p0 $0xFFFFFFFF  }
0xaf: {  	s6 =	sshll.u32 @!p0 s1, $0xE  }
0xb0: {  	s6 =	sor.u32 @!p0 $0x4000, s6;
	s5 =	simm.s32 @!p0 $0x1B8D  }
0xb1: {  	s4 =	sshll.u32 @!p0 s4, $0x11;
	s6 =	sadd.s32 @!p0 $0x11B8D, s6;
	_ =	swait.eq @!p0 [sflag:s5], $0x1  }
0xb2: {  	s4 =	sor.u32 @!p0 s4, s6;
	[sflag:s5] =	ssyncadd.s32 @!p0 $0xFFFFFFFF  }
0xb3: {  	s25 =	simm.s32 $0x1B8E;
	s24 =	sld [smem:$0x3FFE];
	[sflag:s4] =	ssyncadd.remote.s32 @!p0 $0x1  }
0xb4: {  	s26 =	simm.s32 $execute0_lowered;
	[smem:$0x3FD2] =	sst s25  }
0xb5: {  	s5 =	sshll.u32 s26, $0x1;
	_ =	strace $0x8000004F;
	[dreg:$0x1] =	wrdreg $0xFFFFFFFF  }
0xb6: {  	s28 =	simm.s32 $_size_execute0_lowered;
	s3 =	sadd.s32 s3, s5;
	[dreg:$0x0] =	wrdreg $0x0  }
0xb7: {  	s5 =	sshll.u32 s28, $0x1;
	[dreg:$0x2] =	wrdreg s3  }
0xb8: {  	[dreg:$0x3] =	wrdreg s5  }
0xb9: {  	[dreg:$0x4] =	wrdreg $0xC0  }
0xba: {  	_ =	task [dreg:s22], $0x5FFFF  }
0xbb: {  	[dreg:$0x1] =	wrdreg $0xFFFFFFFF  }
0xbc: {  	[dreg:$0x0] =	wrdreg $0x60  }
0xbd: {  	[dreg:$0x2] =	wrdreg s24  }
0xbe: {  	[dreg:$0x3] =	wrdreg $0xA  }
0xbf: {  	_ =	task.clear_ibuf [dreg:s22], $0x4FFFF;
	_ =	strace $0x9000004F  }
0xc0: {  	s29 =	simm.s32 $0xA;
	_ =	strace $0x80000051  }
0xc1: {  	_ =	swait.ge [sflag:s29], $0x1  }
0xc2: {  	[sflag:s29] =	ssyncadd.s32 $0xFFFFFFFF  }
0xc3: {  	_ =	strace $0x90000051  }
0xc4: {  	_ =	sfence  }
0xc5: {  	s30 =	sld [smem:$0x0];
	_ =	sdelay $0x2  }
0xc6: {  	s31 =	sshll.u32 s1, $0xD;
	s1 =	sshrl.u32 s1, $0x2  }
0xc7: {  	s4 =	sand.u32 $0x4000, s31;
	s1 =	sadd.s32 s1, s30  }
0xc8: {  	s0 =	sor.u32 s4, s0;
	s1 =	sshll.u32 s1, $0x11  }
0xc9: {  	s0 =	sor.u32 s1, s0  }
0xca: {  	s0 =	sadd.s32 $0x8F2B, s0  }
0xcb: {  	[sflag:s0] =	ssyncadd.remote.s32 $0x1  }
0xcc: {  	_ =	sfence.sel $0xFFFF  }
0xcd: {  	[dreg:$0x0] =	wrdreg $0xFFFFFFFF;
	(pc) =	sbr.abs _section_cstart, $3  }
0xce: {  	[dreg:$0x1] =	wrdreg $0xFFFFFFFF  }
0xcf: {  	_ =	task.clear_ibuf [dreg:s22], $0x2FFFF;
	_ =	strace $0x9FFFFFFF  }
0xd0: {  	(tm) =	ssettm $0x7FFFFFFF  }
0xd1: {  	_ =	shalt  }
tec
execute0_lowered:
.L_overlay_start_1:
0x0: {  	(tag) =	ssettag $0x1  }
0x1: {  	s1 =	srdreg.scid  }
0x2: {  	s0 =	stileid.u32;
	s2 =	rddreg [dreg:$0x0];
	s1 =	sshll.u32 s1, $0x5  }
0x3: {  	s6 =	simm.s32 $0x1;
	s3 =	sshll.u32 s0, $0x6;
	s1 =	sand.u32 $0x20, s1  }
0x4: {  	s30 =	simm.s32 $0x2;
	s31 =	simm.s32 $0x3;
	s3 =	sor.u32 s3, s1  }
0x5: {  	s11 =	simm.s32 $0x0;
	s8 =	simm.s32 $0x0;
	s5 =	ssub.s32 $0x800, s3  }
0x6: {  	s9 =	simm.s32 $0x0;
	s4 =	sadd.s32 $0x20800, s2;
	s7 =	sand.u32 $0x3E0, s5  }
0x7: {  	s1 =	rddreg [dreg:$0x1];
	_ =	strace $0x80000050;
	p0 =	sne.s32 s7, $0x0  }
0x8: {  	[sflag:s6] =	ssyncpa.u1 $0x0;
	s5 =	sshrl.u32 s5, $0xA;
	s6 =	simm.s32 @!p0 $0x0  }
0x9: {  	s10 =	smov.u32 s3;
	[sflag:s30] =	ssyncpa.u1 $0x0;
	s5 =	sadd.s32 s6, s5  }
0xa: {  	[sflag:s31] =	ssyncpa.u1 $0x0;
	s6 =	sadd.s32 $0x10200, s2;
	s7 =	sadd.s32 $0x1, s5  }
.LBB2_1:
0xb: {  	p0 =	sge.u32 s9, s5  }
0xc: {  	s31 =	sadd.s32 $0xFFFFFFFF, s9;
	s12 =	sxor.u32 @!p0 $0xFFFFFFFF, s8;
	s13 =	sshrl.u32 @!p0 s10, $0x3  }
0xd: {  	s14 =	sand.u32 @!p0 $0x7, s10;
	s12 =	sand.u32 @!p0 $0x20, s12;
	s13 =	sadd.s32 @!p0 s2, s13  }
0xe: {  	[tilespmem:s12], [sflag:$0x2] =	stream.linear.gather @!p0 [hbm4b:s13+s14], $0x20, $0x38;
	[tilespmem:$0x80] =	vst v63  }
0xf: {  	p0 =	sge.u32 s31, s5  }
0x10: {  	s12 =	simm.s32 @!p0 $0x2  }
0x11: {  	_ =	swait.ge @!p0 [sflag:s12], $0x20  }
0x12: {  	[sflag:s12] =	ssyncset.done @!p0 $0x0  }
0x13: {  	[sflag:s12] =	ssyncadd.s32 @!p0 $0xFFFFFFE0;
	s12 =	sand.u32 @!p0 $0x20, s8  }
0x14: {  	(ifvalue) =	ssetifvalue @!p0 $0x7FFFFFFF;
	v0 =	vld.msk @!p0 [tilespmem:s12+$0x0 ss:$0x1], $0xffff;
	_ =	sdelay $0x4  }
0x15: {  	vm0 =	vgt.s32 @!p0 v0, $0x0  }
0x16: {  	v0 =	vnsel @!p0 vm0, $0x0, v0  }
0x17: {  	v0 =	vmin.u32 @!p0 v0, $0xFFF;
	_ =	sdelay $0x2  }
0x18: {  	s14 =	simm.s32 @!p0 $0x0  }
0x19: {  	s13 =	sor.u32 @!p0 $0x40, s12;
	(ifvalue) =	ssetifvalue @!p0 $0x7FFFFFFF;
	s15 =	sor.u32 @!p0 $0x10, s12;
	vm0 =	vmmov @!p0 $0xffff  }
0x1a: {  	[tilespmem:s13], [sflag:$0x1] =	stream.indirect_vreg.gather @!p0 [hbm4b:s4+s14], $0x1, v0, vm0, $0x4038;
	[tilespmem:$0x80] =	vst v63  }
0x1b: {  	v0 =	vld.msk @!p0 [tilespmem:s15+$0x0 ss:$0x1], $0xffff;
	_ =	sdelay $0x4  }
0x1c: {  	vm1 =	vgt.s32 @!p0 v0, $0x0  }
0x1d: {  	v0 =	vnsel @!p0 vm1, $0x0, v0  }
0x1e: {  	v0 =	vmin.u32 @!p0 v0, $0xFFF;
	_ =	sdelay $0x3  }
0x1f: {  	s12 =	sor.u32 @!p0 $0x50, s12;
	(ifvalue) =	ssetifvalue @!p0 $0x7FFFFFFF  }
0x20: {  	[tilespmem:s12], [sflag:$0x1] =	stream.indirect_vreg.gather @!p0 [hbm4b:s4+s14], $0x1, v0, vm0, $0x4038;
	[tilespmem:$0x80] =	vst v63  }
0x21: {  	s12 =	simm.s32 @!p0 $0x1  }
0x22: {  	_ =	swait.ge @!p0 [sflag:s12], $0x20  }
0x23: {  	s14 =	sshrl.u32 @!p0 s11, $0x3;
	[sflag:s12] =	ssyncset.done @!p0 $0x0  }
0x24: {  	s11 =	sand.u32 @!p0 $0x7, s11;
	[sflag:s12] =	ssyncadd.s32 @!p0 $0xFFFFFFE0;
	s12 =	sadd.s32 @!p0 s6, s14  }
0x25: {  	[hbm4b:s12+s11] =	stream.linear.scatter @!p0 [tilespmem:s13], [sflag:$0x3], $0x20, $0x38;
	[tilespmem:$0x80] =	vst v63  }
0x26: {  	s13 =	sadd.s32 $0x400, s10  }
0x27: {  	p1 =	sgt.s32 s13, $0x7FF  }
0x28: {  	s13 =	smov.u32 @p1 s3;
	p1 =	sne.s32 s9, s7  }
.Ltmp0:
0x29: {  	p0 =	slt.u32 s9, $0x2;
	(pc) =	sbr.rel @p1 .LBB2_1-.Ltmp0, $4  }
0x2a: {  	s12 =	simm.s32 @!p0 $0x3  }
0x2b: {  	_ =	swait.ge @!p0 [sflag:s12], $0x20  }
0x2c: {  	s8 =	sadd.s32 $0x20, s8;
	s11 =	smov.u32 s10;
	[sflag:s12] =	ssyncset.done @!p0 $0x0  }
0x2d: {  	s9 =	sadd.s32 $0x1, s9;
	s10 =	smov.u32 s13;
	[sflag:s12] =	ssyncadd.s32 @!p0 $0xFFFFFFE0  }
0x2e: {  	_ =	sfence.sel $0x180000  }
0x2f: {  	s2 =	simm.s32 $0x2;
	[bflag:$0x0] =	sbarrier.arrive $0xFFFF  }
0x30: {  	s30 =	simm.s32 $0x3;
	[sflag:s2] =	ssyncpa.u1 $0x1  }
0x31: {  	s31 =	simm.s32 $0x1;
	[sflag:s30] =	ssyncpa.u1 $0x1  }
0x32: {  	[sflag:s31] =	ssyncpa.u1 $0x1  }
0x33: {  	p0 =	sne.s32 s0, $0x0;
	_ =	strace $0x90000050  }
0x34: {  	s0 =	sadd.s32 @!p0 $0x100000, s1;
	[bflag:$0x2] =	sbarrier.arrive $0xFFFF  }
0x35: {  	[sflag:s0] =	ssyncadd.tile.s32 @!p0 $0x1;
	_ =	shalt  }
.Lfunc_end2:
_tile_overlayer_lowered:
.L_overlay_start_2:
0x36: {  	(tag) =	ssettag $0x2  }
0x37: {  	s0 =	rddreg [dreg:$0x0];
	s2 =	stileid.u32  }
0x38: {  	s1 =	rddreg [dreg:$0x1];
	p0 =	sne.s32 s2, $0x0  }
0x39: {  	s3 =	rddreg [dreg:$0x2];
	[bflag:$0x3] =	sbarrier.arrive $0xFFFF;
	s2 =	simm.s32 @!p0 $0x1C01  }
0x3a: {  	[timem:s3], [sflag:s2] =	dma.local @!p0 [hbm:s0], s1  }
0x3b: {  	s0 =	simm.s32 @!p0 $0x1  }
0x3c: {  	_ =	swait.ge @!p0 [sflag:s0], s1  }
0x3d: {  	s1 =	ssub.s32 @!p0 $0x0, s1;
	[sflag:s0] =	ssyncset.done @!p0 $0x0  }
0x3e: {  	[sflag:s0] =	ssyncadd.s32 @!p0 s1  }
0x3f: {  	[bflag:$0x3] =	sbarrier.arrive $0xFFFF  }
0x40: {  	_ =	shalt  }

// kernel: gather_offload_async_start
scs
__scs_entry_jumppad:
0x0: {  	(pc) =	sbr.rel $0x88, $3  }
0x1: {  	(tag) =	ssettag $0x0;
	lr =	simm.s32 $0x1  }
0x2: {  	[smem:$0x3F87] =	sst lr;
	_ =	strace $0xD0000000  }
0x3: {  	_ = 	snop  }
0x4: {  	_ = 	snop  }
0x5: {  	_ = 	snop  }
0x6: {  	_ = 	snop  }
0x7: {  	_ = 	snop  }
__scs_overlays_trampoline_lowered:
0x8: {  	[smem:$0x3F96] =	sst s0  }
0x9: {  	[smem:$0x3F97] =	sst s1  }
0xa: {  	[smem:$0x3F98] =	sst s2  }
0xb: {  	[smem:$0x3F99] =	sst s3  }
0xc: {  	[smem:$0x3F9A] =	sst s4  }
0xd: {  	[smem:$0x3F9B] =	sst s5  }
0xe: {  	[smem:$0x3F9C] =	sst s6  }
0xf: {  	[smem:$0x3F9D] =	sst s7  }
0x10: {  	[smem:$0x3F9E] =	sst s8  }
0x11: {  	[smem:$0x3F9F] =	sst s9;
	s0 =	simm.s32 @!p0 $0x0  }
0x12: {  	s1 =	sld [smem:$0x3F85];
	s0 =	simm.s32 @p0 $0x1  }
0x13: {  	[smem:$0x3FA0] =	sst s0;
	s0 =	simm.s32 @!p1 $0x0  }
0x14: {  	s2 =	sld [smem:$0x3F84];
	s0 =	simm.s32 @p1 $0x1  }
0x15: {  	[smem:$0x3FA1] =	sst s0;
	s0 =	simm.s32 @!p2 $0x0  }
0x16: {  	s3 =	sld [smem:$0x3FDB];
	s0 =	simm.s32 @p2 $0x1  }
0x17: {  	s4 =	simm.s32 $0x1BF5;
	[smem:$0x3FA3] =	sst s0  }
0x18: {  	s0 =	sld [smem:$0x3F86];
	_ =	swait.ge [sflag:s4], $0x0  }
0x19: {  	s7 =	sld [smem:$0x3F87]  }
0x1a: {  	s8 =	sadd.s32 $0xFFFFE003, lr  }
0x1b: {  	s9 =	sadd.s32 $0xFFFFFEF7, lr;
	s5 =	simm.s32 $0xFFFFFFFF;
	p2 =	slt.u32 s8, $0xFFFFF086  }
0x1c: {  	p1 =	slt.u32 s9, $0xF7A;
	s5 =	simm.s32 @!p2 $0x0  }
0x1d: {  	s5 =	simm.s32 @p1 $0x1;
	p0 =	seq.s32 s7, s2  }
0x1e: {  	s7 =	smul.u32 @!p0 $0xF7A, s2;
	p2 =	seq.s32 @!p0 s5, $0x0  }
0x1f: {  	s9 =	smul.u32 $0xF7A, s1;
	s8 =	simm.s32 @!p0 $0x1BF5;
	p2 =	por !p2, p0  }
0x20: {  	[sflag:s8] =	ssyncset.s32 @!p0 $0xFFFFF086;
	s6 =	sadd.s32 @!p0 s3, s7;
	s7 =	simm.s32 @!p0 $0x108  }
0x21: {  	s3 =	sadd.s32 s3, s9;
	s6 =	sadd.s32 @!p0 $0x88, s6;
	s7 =	simm.s32 @p2 $0x1082  }
0x22: {  	[simem:s7], [sflag:s8] =	dma.local @!p0 [hbm:s6], $0xF7A  }
0x23: {  	s9 =	sor.u32 $0xD0000000, s2;
	s6 =	simm.s32 $0x108;
	_ =	swait.ge @!p0 [sflag:s8], $0x0  }
0x24: {  	s3 =	sadd.s32 $0x88, s3;
	s6 =	simm.s32 @!p1 $0x1082;
	[sflag:s4] =	ssyncset.s32 $0xFFFFF086  }
0x25: {  	[simem:s6], [sflag:s4] =	dma.local [hbm:s3], $0xF7A  }
0x26: {  	[smem:$0x3F87] =	sst s1;
	(tag) =	ssettag s2;
	_ =	strace s9  }
0x27: {  	s1 =	sld [smem:$0x3F97]  }
0x28: {  	s2 =	sld [smem:$0x3F98]  }
0x29: {  	s4 =	sld [smem:$0x3F9A]  }
0x2a: {  	p0 =	seq.s32 s5, $0x0;
	s5 =	sld [smem:$0x3F9B]  }
0x2b: {  	s6 =	sld [smem:$0x3F9C]  }
0x2c: {  	s7 =	sld [smem:$0x3F9D]  }
0x2d: {  	s3 =	simm.s32 $0x108;
	s8 =	sld [smem:$0x3F9E]  }
0x2e: {  	s3 =	simm.s32 @!p0 $0x1082;
	s9 =	sld [smem:$0x3F9F]  }
0x2f: {  	lr =	sadd.s32 s0, s3;
	s0 =	sld [smem:$0x3F96]  }
0x30: {  	s3 =	sld [smem:$0x3F99]  }
0x31: {  	[smem:$0x3FA2] =	sst s10  }
0x32: {  	s10 =	sld [smem:$0x3FA0];
	_ =	sdelay $0x3  }
0x33: {  	p0 =	seq.s32 s10, $0x1;
	s10 =	sld [smem:$0x3FA2];
	_ =	sdelay $0x3  }
0x34: {  	[smem:$0x3FA2] =	sst s10  }
0x35: {  	s10 =	sld [smem:$0x3FA1];
	_ =	sdelay $0x3  }
0x36: {  	p1 =	seq.s32 s10, $0x1;
	s10 =	sld [smem:$0x3FA2];
	_ =	sdelay $0x3  }
0x37: {  	[smem:$0x3FA2] =	sst s10  }
0x38: {  	s10 =	sld [smem:$0x3FA3]  }
0x39: {  	_ = 	snop;
	(pc) =	sbr.ind lr, $3  }
0x3a: {  	_ = 	snop  }
0x3b: {  	_ = 	snop  }
0x3c: {  	p2 =	seq.s32 s10, $0x1;
	s10 =	sld [smem:$0x3FA2]  }
0x3d: {  	_ =	shalt  }
0x3e: {  	_ =	shalt  }
0x3f: {  	_ =	shalt  }
0x40: {  	_ =	shalt  }
0x41: {  	_ =	shalt  }
0x42: {  	_ =	shalt  }
0x43: {  	_ =	shalt  }
0x44: {  	_ =	shalt  }
0x45: {  	_ =	shalt  }
0x46: {  	_ =	shalt  }
0x47: {  	_ =	shalt  }
0x48: {  	_ =	shalt  }
0x49: {  	_ =	shalt  }
0x4a: {  	_ =	shalt  }
0x4b: {  	_ =	shalt  }
0x4c: {  	_ =	shalt  }
0x4d: {  	_ =	shalt  }
0x4e: {  	_ =	shalt  }
0x4f: {  	_ =	shalt  }
0x50: {  	_ =	shalt  }
0x51: {  	_ =	shalt  }
0x52: {  	_ =	shalt  }
0x53: {  	_ =	shalt  }
0x54: {  	_ =	shalt  }
0x55: {  	_ =	shalt  }
0x56: {  	_ =	shalt  }
0x57: {  	_ =	shalt  }
0x58: {  	_ =	shalt  }
0x59: {  	_ =	shalt  }
0x5a: {  	_ =	shalt  }
0x5b: {  	_ =	shalt  }
0x5c: {  	_ =	shalt  }
0x5d: {  	_ =	shalt  }
0x5e: {  	_ =	shalt  }
0x5f: {  	_ =	shalt  }
0x60: {  	_ =	shalt  }
0x61: {  	_ =	shalt  }
0x62: {  	_ =	shalt  }
0x63: {  	_ =	shalt  }
0x64: {  	_ =	shalt  }
0x65: {  	_ =	shalt  }
0x66: {  	_ =	shalt  }
0x67: {  	_ =	shalt  }
0x68: {  	_ =	shalt  }
0x69: {  	_ =	shalt  }
0x6a: {  	_ =	shalt  }
0x6b: {  	_ =	shalt  }
0x6c: {  	_ =	shalt  }
0x6d: {  	_ =	shalt  }
0x6e: {  	_ =	shalt  }
0x6f: {  	_ =	shalt  }
0x70: {  	_ =	shalt  }
0x71: {  	_ =	shalt  }
0x72: {  	_ =	shalt  }
0x73: {  	_ =	shalt  }
0x74: {  	_ =	shalt  }
0x75: {  	_ =	shalt  }
0x76: {  	_ =	shalt  }
0x77: {  	_ =	shalt  }
0x78: {  	_ =	shalt  }
0x79: {  	_ =	shalt  }
0x7a: {  	_ =	shalt  }
0x7b: {  	_ =	shalt  }
0x7c: {  	_ =	shalt  }
0x7d: {  	_ =	shalt  }
0x7e: {  	_ =	shalt  }
0x7f: {  	_ =	shalt  }
0x80: {  	_ =	shalt  }
0x81: {  	_ =	shalt  }
0x82: {  	_ =	shalt  }
0x83: {  	_ =	shalt  }
0x84: {  	_ =	shalt  }
0x85: {  	_ =	shalt  }
0x86: {  	_ =	shalt  }
0x87: {  	_ =	shalt  }
.Lfunc_end0:
.L_simem_size_0:
called_computation.2_lowered:
.L_overlay_start_0:
0x88: {  	s2 =	sld [smem:$0x3FD9]  }
0x89: {  	s3 =	sld [smem:$0x3FFE];
	_ =	sdelay $0x1  }
0x8a: {  	s1 =	srdreg.scid  }
0x8b: {  	s0 =	sand.u32 $0x1, s1  }
0x8c: {  	s17 =	sshll.u32 s0, $0xA;
	s2 =	sadd.s32 s3, s2  }
0x8d: {  	s2 =	sadd.s32 s2, s17  }
0x8e: {  	[smem:$0x3FAE] =	sst s2  }
0x8f: {  	_ = 	snop  }
0x90: {  	s2 =	sld [smem:$0x3FD0];
	(tm) =	ssettm $0x1  }
0x91: {  	s18 =	sld [smem:$0x3FFB];
	_ =	sdelay $0x3  }
0x92: {  	_ =	strace s18  }
0x93: {  	s3 =	sld [smem:$0x3FFC];
	_ =	sdelay $0x3  }
0x94: {  	_ =	strace s3  }
0x95: {  	s3 =	sld [smem:$0x3FFD];
	_ =	sdelay $0x3  }
0x96: {  	_ =	strace s3  }
0x97: {  	_ =	strace $0x8FFFFFFF  }
0x98: {  	s19 =	sld [smem:$0x3FDB];
	_ =	sdelay $0x1  }
0x99: {  	s4 =	simm.s32 $_scs_section_size  }
0x9a: {  	s5 =	simm.s32 $_size__tile_overlayer_lowered;
	s6 =	simm.s32 $_tile_overlayer_lowered  }
0x9b: {  	s22 =	simm.s32 $0x1BFF;
	s21 =	sshll.u32 s6, $0x1;
	s3 =	sadd.s32 s4, s19  }
0x9c: {  	s7 =	simm.s32 $0x0;
	s20 =	sshll.u32 s5, $0x1;
	s5 =	sadd.s32 s21, s3  }
0x9d: {  	[timem:s7], [sflag:s22] =	dma.local [hbm:s5], s20  }
0x9e: {  	_ =	swait.ge [sflag:s22], s20  }
0x9f: {  	s4 =	ssub.s32 $0x0, s20;
	[sflag:s22] =	ssyncset.done $0x0  }
0xa0: {  	[sflag:s22] =	ssyncadd.s32 s4;
	_ =	sdelay $0x1  }
0xa1: {  	s23 =	simm.s32 $0x1B8B  }
0xa2: {  	_ =	swait.ge [sflag:s23], $0x1  }
0xa3: {  	[sflag:s23] =	ssyncset.done $0x0  }
0xa4: {  	s25 =	simm.s32 $0x1B8E;
	s24 =	sld [smem:$0x3FFE];
	[sflag:s23] =	ssyncadd.s32 $0xFFFFFFFF  }
0xa5: {  	s26 =	simm.s32 $execute0_lowered;
	[smem:$0x3FD2] =	sst s25  }
0xa6: {  	s5 =	sshll.u32 s26, $0x1;
	_ =	strace $0x80000046;
	[dreg:$0x1] =	wrdreg $0xFFFFFFFF  }
0xa7: {  	s28 =	simm.s32 $_size_execute0_lowered;
	s3 =	sadd.s32 s3, s5;
	[dreg:$0x0] =	wrdreg $0x0  }
0xa8: {  	s5 =	sshll.u32 s28, $0x1;
	[dreg:$0x2] =	wrdreg s3  }
0xa9: {  	[dreg:$0x3] =	wrdreg s5  }
0xaa: {  	[dreg:$0x4] =	wrdreg $0xC0  }
0xab: {  	_ =	task [dreg:s7], $0x5FFFF  }
0xac: {  	[dreg:$0x1] =	wrdreg $0xFFFFFFFF  }
0xad: {  	[dreg:$0x0] =	wrdreg $0x60  }
0xae: {  	[dreg:$0x2] =	wrdreg s2  }
0xaf: {  	[dreg:$0x3] =	wrdreg s24  }
0xb0: {  	[dreg:$0x4] =	wrdreg $0x9  }
0xb1: {  	_ =	task.clear_ibuf [dreg:s7], $0x5FFFF;
	_ =	strace $0x90000046  }
0xb2: {  	s29 =	simm.s32 $0x9;
	_ =	strace $0x80000048  }
0xb3: {  	_ =	swait.ge [sflag:s29], $0x1  }
0xb4: {  	[sflag:s29] =	ssyncadd.s32 $0xFFFFFFFF  }
0xb5: {  	_ =	strace $0x90000048  }
0xb6: {  	_ =	sfence  }
0xb7: {  	s30 =	sld [smem:$0x0];
	_ =	sdelay $0x2  }
0xb8: {  	s31 =	sshll.u32 s1, $0xD;
	s1 =	sshrl.u32 s1, $0x2  }
0xb9: {  	s3 =	sand.u32 $0x4000, s31;
	s1 =	sadd.s32 s1, s30  }
0xba: {  	s0 =	sor.u32 s3, s0;
	s1 =	sshll.u32 s1, $0x11  }
0xbb: {  	s0 =	sor.u32 s1, s0  }
0xbc: {  	s0 =	sadd.s32 $0x8F2B, s0  }
0xbd: {  	[sflag:s0] =	ssyncadd.remote.s32 $0x1  }
0xbe: {  	_ =	sfence.sel $0xFFFF  }
0xbf: {  	[dreg:$0x0] =	wrdreg $0xFFFFFFFF;
	(pc) =	sbr.abs _section_cstart, $3  }
0xc0: {  	[dreg:$0x1] =	wrdreg $0xFFFFFFFF  }
0xc1: {  	_ =	task.clear_ibuf [dreg:s7], $0x2FFFF;
	_ =	strace $0x9FFFFFFF  }
0xc2: {  	(tm) =	ssettm $0x7FFFFFFF  }
0xc3: {  	_ =	shalt  }
tec
execute0_lowered:
.L_overlay_start_1:
0x0: {  	(tag) =	ssettag $0x1  }
0x1: {  	s2 =	rddreg [dreg:$0x0]  }
0x2: {  	s3 =	rddreg [dreg:$0x1]  }
0x3: {  	s0 =	rddreg [dreg:$0x2];
	s1 =	srdreg.scid;
	_ =	strace $0x80000047  }
0x4: {  	s4 =	simm.s32 $0x1;
	s9 =	simm.s32 $0x3;
	s5 =	sshll.u32 s1, $0x4  }
.Ltmp0:
0x5: {  	s1 =	stileid.u32;
	s5 =	sand.u32 $0x10, s5;
	(pc) =	sbr.rel .LBB2_1-.Ltmp0, $4  }
0x6: {  	s12 =	simm.s32 $0x0;
	s10 =	simm.s32 $0x0;
	s6 =	sor.u32 s1, s5  }
0x7: {  	[sflag:s4] =	ssyncpa.u1 $0x0;
	s5 =	simm.s32 $0x2;
	s6 =	sshll.u32 s6, $0x7  }
0x8: {  	s7 =	sadd.s32 $0x200, s3;
	[sflag:s5] =	ssyncpa.u1 $0x0;
	s8 =	sadd.s32 $0x80, s6  }
0x9: {  	vm0 =	vmmov $0xff;
	vm1 =	vcmask $0x3F20;
	[sflag:s9] =	ssyncpa.u1 $0x0;
	s9 =	simm.s32 $0x80;
	s11 =	smov.u32 s6  }
.LBB2_9:
0xa: {  	p0 =	seq.s32 s10, $0x2  }
.Ltmp1:
0xb: {  	_ = 	snop;
	(pc) =	sbr.rel @p0 .LBB2_11-.Ltmp1, $1  }
0xc: {  	_ =	sdelay $0x3  }
.LBB2_10:
0xd: {  	s12 =	sadd.s32 $0x80, s11  }
0xe: {  	s13 =	smov.u32 s6;
	p0 =	slt.s32 s12, s8  }
0xf: {  	s13 =	smov.u32 @p0 s12  }
0x10: {  	s10 =	sadd.s32 $0x1, s10;
	s12 =	smov.u32 s11;
	s11 =	smov.u32 s13  }
.LBB2_1:
0x11: {  	p0 =	sne.s32 s10, $0x0  }
.Ltmp2:
0x12: {  	_ = 	snop;
	(pc) =	sbr.rel @!p0 .LBB2_2-.Ltmp2, $1  }
0x13: {  	_ =	sdelay $0x3  }
0x14: {  	s13 =	sand.u32 $0x1, s10  }
0x15: {  	p0 =	seq.s32 s13, $0x0  }
.Ltmp3:
0x16: {  	_ = 	snop;
	(pc) =	sbr.rel @p0 .LBB2_9-.Ltmp3, $1  }
0x17: {  	_ =	sdelay $0x3  }
0x18: {  	_ =	swait.ge [sflag:s5], $0x80  }
0x19: {  	[sflag:s5] =	ssyncset.done $0x0  }
0x1a: {  	s13 =	simm.s32 $0x0;
	[sflag:s5] =	ssyncadd.s32 $0xFFFFFF80  }
0x1b: {  	v0 =	vld.msk [tilespmem:s13+$0x80 ss:$0x1], $0xffff;
	_ =	sdelay $0x4  }
0x1c: {  	vm2 =	vgt.s32 v0, $0x0  }
0x1d: {  	v0 =	vnsel vm2, $0x0, v0  }
0x1e: {  	v0 =	vmin.u32 v0, $0x1FFF  }
0x1f: {  	v0 =	vshll.u32 v0, $0x4;
	_ =	sdelay $0x3  }
0x20: {  	s13 =	simm.s32 $0x4100  }
0x21: {  	[tilespmem:s13], [sflag:$0x1] =	stream.indirect_vreg.gather [hbm:s2], $0x80, v0, vm0, $0x38;
	[tilespmem:$0x8100] =	vst v63  }
0x22: {  	s14 =	simm.s32 $0x4500;
	s31 =	simm.s32 $0x10  }
0x23: {  	[tilespmem:s14], [sflag:$0x1] =	stream.indirect_vreg.gather [hbm:s2], $0x80, v0, vm1, $0x38;
	[tilespmem:$0x8100] =	vst v63  }
0x24: {  	s14 =	simm.s32 $0x80;
	v0 =	vld.msk [tilespmem:s31+$0x80 ss:$0x1], $0xffff  }
.LBB2_5:
0x25: {  	p0 =	sne.s32 s14, $0x1C0;
	_ =	sdelay $0x4  }
0x26: {  	vm2 =	vgt.s32 v0, $0x0  }
0x27: {  	v0 =	vnsel vm2, $0x0, v0  }
0x28: {  	v0 =	vmin.u32 v0, $0x1FFF  }
0x29: {  	v0 =	vshll.u32 v0, $0x4;
	_ =	sdelay $0x3  }
.Ltmp4:
0x2a: {  	s13 =	sadd.s32 $0x800, s13;
	(pc) =	sbr.rel @p0 .LBB2_5-.Ltmp4, $4  }
0x2b: {  	[tilespmem:s13], [sflag:$0x1] =	stream.indirect_vreg.gather [hbm:s2], $0x80, v0, vm0, $0x38;
	[tilespmem:$0x8100] =	vst v63  }
0x2c: {  	s15 =	sshra.s32 s14, $0x2;
	s16 =	sadd.s32 $0x400, s13  }
0x2d: {  	[tilespmem:s16], [sflag:$0x1] =	stream.indirect_vreg.gather [hbm:s2], $0x80, v0, vm1, $0x38;
	[tilespmem:$0x8100] =	vst v63  }
0x2e: {  	s14 =	sadd.s32 $0x40, s14;
	v0 =	vld.msk [tilespmem:s15+$0x80 ss:$0x1], $0xffff  }
0x2f: {  	_ =	sdelay $0x3  }
0x30: {  	vm2 =	vgt.s32 v0, $0x0  }
0x31: {  	v0 =	vnsel vm2, $0x0, v0  }
0x32: {  	v0 =	vmin.u32 v0, $0x1FFF  }
0x33: {  	v0 =	vshll.u32 v0, $0x4;
	_ =	sdelay $0x3  }
0x34: {  	s13 =	sadd.s32 $0x800, s13  }
0x35: {  	[tilespmem:s13], [sflag:$0x1] =	stream.indirect_vreg.gather [hbm:s2], $0x80, v0, vm0, $0x38;
	[tilespmem:$0x8100] =	vst v63  }
0x36: {  	s13 =	sadd.s32 $0x400, s13  }
0x37: {  	[tilespmem:s13], [sflag:$0x1] =	stream.indirect_vreg.gather [hbm:s2], $0x80, v0, vm1, $0x38;
	[tilespmem:$0x8100] =	vst v63  }
0x38: {  	s12 =	sshll.u32 s12, $0x4;
	s14 =	simm.s32 $0x80;
	_ =	swait.ge [sflag:s4], $0x4000  }
0x39: {  	s15 =	simm.s32 $0x4500;
	s12 =	sadd.s32 s12, s7;
	[sflag:s4] =	ssyncset.done $0x0  }
0x3a: {  	s16 =	sadd.s32 $0x0, s12;
	s13 =	simm.s32 $0x4100;
	[sflag:s4] =	ssyncadd.s32 $0xFFFFC000  }
.LBB2_7:
0x3b: {  	[hbm:s16] =	stream.linear.scatter [tilespmem:s13], [sflag:$0x3], $0x400, $0x38;
	[tilespmem:$0x8100] =	vst v63  }
0x3c: {  	s16 =	smov.u32 s14;
	s13 =	smov.u32 s15;
	p0 =	sne.s32 s14, $0x780  }
.Ltmp5:
0x3d: {  	s14 =	sadd.s32 $0x80, s14;
	(pc) =	sbr.rel @p0 .LBB2_7-.Ltmp5, $2  }
0x3e: {  	_ =	sdelay $0x2  }
0x3f: {  	s15 =	sadd.s32 $0x400, s15;
	s16 =	sadd.s32 s16, s12  }
.Ltmp6:
0x40: {  	(pc) =	sbr.rel .LBB2_9-.Ltmp6, $2  }
0x41: {  	_ =	sdelay $0x2  }
0x42: {  	[hbm:s16] =	stream.linear.scatter [tilespmem:s13], [sflag:$0x3], $0x400, $0x38;
	[tilespmem:$0x8100] =	vst v63  }
.LBB2_2:
.Ltmp7:
0x43: {  	(pc) =	sbr.rel .LBB2_10-.Ltmp7, $4  }
0x44: {  	_ = 	snop  }
0x45: {  	s12 =	sshrl.u32 s11, $0x3  }
0x46: {  	s13 =	sand.u32 $0x7, s11;
	s12 =	sadd.s32 s3, s12  }
0x47: {  	[tilespmem:s9], [sflag:$0x2] =	stream.linear.gather [hbm4b:s12+s13], $0x80, $0x38;
	[tilespmem:$0x8100] =	vst v63  }
.LBB2_11:
0x48: {  	s2 =	simm.s32 $0x3  }
0x49: {  	_ =	swait.ge [sflag:s2], $0x4000  }
0x4a: {  	[sflag:s2] =	ssyncset.done $0x0  }
0x4b: {  	[sflag:s2] =	ssyncadd.s32 $0xFFFFC000  }
0x4c: {  	_ =	sfence.sel $0x180000  }
0x4d: {  	s3 =	simm.s32 $0x2;
	[bflag:$0x0] =	sbarrier.arrive $0xFFFF  }
0x4e: {  	[sflag:s3] =	ssyncpa.u1 $0x1  }
0x4f: {  	s31 =	simm.s32 $0x1;
	[sflag:s2] =	ssyncpa.u1 $0x1  }
0x50: {  	[sflag:s31] =	ssyncpa.u1 $0x1  }
0x51: {  	p0 =	sne.s32 s1, $0x0;
	_ =	strace $0x90000047  }
0x52: {  	s0 =	sadd.s32 @!p0 $0x100000, s0;
	[bflag:$0x2] =	sbarrier.arrive $0xFFFF  }
0x53: {  	[sflag:s0] =	ssyncadd.tile.s32 @!p0 $0x1;
	_ =	shalt  }
.Lfunc_end2:
_tile_overlayer_lowered:
.L_overlay_start_2:
0x54: {  	(tag) =	ssettag $0x2  }
0x55: {  	s0 =	rddreg [dreg:$0x0];
	s2 =	stileid.u32  }
0x56: {  	s1 =	rddreg [dreg:$0x1];
	p0 =	sne.s32 s2, $0x0  }
0x57: {  	s3 =	rddreg [dreg:$0x2];
	[bflag:$0x3] =	sbarrier.arrive $0xFFFF;
	s2 =	simm.s32 @!p0 $0x1C01  }
0x58: {  	[timem:s3], [sflag:s2] =	dma.local @!p0 [hbm:s0], s1  }
0x59: {  	s0 =	simm.s32 @!p0 $0x1  }
0x5a: {  	_ =	swait.ge @!p0 [sflag:s0], s1  }
0x5b: {  	s1 =	ssub.s32 @!p0 $0x0, s1;
	[sflag:s0] =	ssyncset.done @!p0 $0x0  }
0x5c: {  	[sflag:s0] =	ssyncadd.s32 @!p0 s1  }
0x5d: {  	[bflag:$0x3] =	sbarrier.arrive $0xFFFF  }
0x5e: {  	_ =	shalt  }

// kernel: sparse-core-data-format-call.1.cloned.1.call-start
scs
called_computation.1_lowered:
.L_overlay_start_0:
0x0: {  	s1 =	sld [smem:$0x3FD9]  }
0x1: {  	s2 =	sld [smem:$0x3FFE];
	_ =	sdelay $0x1  }
0x2: {  	s3 =	srdreg.scid  }
0x3: {  	s0 =	sand.u32 $0x1, s3  }
0x4: {  	s17 =	sshll.u32 s0, $0xA;
	s1 =	sadd.s32 s2, s1  }
0x5: {  	s1 =	sadd.s32 s1, s17  }
0x6: {  	[smem:$0x3FAE] =	sst s1  }
0x7: {  	_ = 	snop  }
0x8: {  	(tm) =	ssettm $0x1  }
0x9: {  	s18 =	sld [smem:$0x3FFB];
	_ =	sdelay $0x3  }
0xa: {  	_ =	strace s18  }
0xb: {  	s1 =	sld [smem:$0x3FFC];
	_ =	sdelay $0x3  }
0xc: {  	_ =	strace s1  }
0xd: {  	s1 =	sld [smem:$0x3FFD];
	_ =	sdelay $0x3  }
0xe: {  	_ =	strace s1  }
0xf: {  	_ =	strace $0x8FFFFFFF  }
0x10: {  	s19 =	sld [smem:$0x3FDB];
	_ =	sdelay $0x1  }
0x11: {  	s20 =	simm.s32 $_scs_section_size  }
0x12: {  	s4 =	simm.s32 $_size__tile_overlayer_lowered;
	s5 =	simm.s32 $_tile_overlayer_lowered  }
0x13: {  	s23 =	simm.s32 $0x1BFF;
	s22 =	sshll.u32 s5, $0x1;
	s1 =	sadd.s32 s20, s19  }
0x14: {  	s6 =	simm.s32 $0x0;
	s21 =	sshll.u32 s4, $0x1;
	s4 =	sadd.s32 s22, s1  }
0x15: {  	[timem:s6], [sflag:s23] =	dma.local [hbm:s4], s21  }
0x16: {  	_ =	swait.ge [sflag:s23], s21  }
0x17: {  	s2 =	ssub.s32 $0x0, s21;
	[sflag:s23] =	ssyncset.done $0x0  }
0x18: {  	[sflag:s23] =	ssyncadd.s32 s2;
	_ =	sdelay $0x1  }
0x19: {  	s24 =	simm.s32 $0x1B8B  }
0x1a: {  	_ =	swait.ge [sflag:s24], $0x1  }
0x1b: {  	[sflag:s24] =	ssyncset.done $0x0  }
0x1c: {  	s26 =	simm.s32 $0x1B8E;
	s25 =	sld [smem:$0x3FFE];
	[sflag:s24] =	ssyncadd.s32 $0xFFFFFFFF  }
0x1d: {  	s27 =	simm.s32 $execute0_lowered;
	[smem:$0x3FD2] =	sst s26  }
0x1e: {  	s4 =	sshll.u32 s27, $0x1;
	_ =	strace $0x80000052;
	[dreg:$0x1] =	wrdreg $0xFFFFFFFF  }
0x1f: {  	s28 =	simm.s32 $_size_execute0_lowered;
	s1 =	sadd.s32 s1, s4;
	[dreg:$0x0] =	wrdreg $0x0  }
0x20: {  	s4 =	sshll.u32 s28, $0x1;
	[dreg:$0x2] =	wrdreg s1  }
0x21: {  	[dreg:$0x3] =	wrdreg s4  }
0x22: {  	[dreg:$0x4] =	wrdreg $0xC0  }
0x23: {  	_ =	task [dreg:s6], $0x5FFFF  }
0x24: {  	[dreg:$0x1] =	wrdreg $0xFFFFFFFF  }
0x25: {  	[dreg:$0x0] =	wrdreg $0x60  }
0x26: {  	[dreg:$0x2] =	wrdreg s25  }
0x27: {  	[dreg:$0x3] =	wrdreg $0x9  }
0x28: {  	_ =	task.clear_ibuf [dreg:s6], $0x4FFFF;
	_ =	strace $0x90000052  }
0x29: {  	s29 =	simm.s32 $0x9;
	_ =	strace $0x80000054  }
0x2a: {  	_ =	swait.ge [sflag:s29], $0x1  }
0x2b: {  	[sflag:s29] =	ssyncadd.s32 $0xFFFFFFFF  }
0x2c: {  	_ =	strace $0x90000054  }
0x2d: {  	_ =	sfence  }
0x2e: {  	s30 =	sld [smem:$0x0];
	_ =	sdelay $0x2  }
0x2f: {  	s31 =	sshll.u32 s3, $0xD;
	s3 =	sshrl.u32 s3, $0x2  }
0x30: {  	s2 =	sand.u32 $0x4000, s31;
	s1 =	sadd.s32 s3, s30  }
0x31: {  	s0 =	sor.u32 s2, s0;
	s1 =	sshll.u32 s1, $0x11  }
0x32: {  	s0 =	sor.u32 s1, s0  }
0x33: {  	s0 =	sadd.s32 $0x8F2B, s0  }
0x34: {  	[sflag:s0] =	ssyncadd.remote.s32 $0x1  }
0x35: {  	_ =	sfence.sel $0xFFFF  }
0x36: {  	[dreg:$0x0] =	wrdreg $0xFFFFFFFF;
	(pc) =	sbr.abs _section_cstart, $3  }
0x37: {  	[dreg:$0x1] =	wrdreg $0xFFFFFFFF  }
0x38: {  	_ =	task.clear_ibuf [dreg:s6], $0x2FFFF;
	_ =	strace $0x9FFFFFFF  }
0x39: {  	(tm) =	ssettm $0x7FFFFFFF  }
tec
execute0_lowered:
.L_overlay_start_1:
0x0: {  	(tag) =	ssettag $0x1  }
0x1: {  	s7 =	rddreg [dreg:$0x0]  }
0x2: {  	s1 =	stileid.u32;
	s3 =	srdreg.scid  }
0x3: {  	s0 =	rddreg [dreg:$0x1];
	_ =	strace $0x80000053;
	s8 =	simm.s32 $0x1  }
0x4: {  	s31 =	simm.s32 $0x2;
	s14 =	simm.s32 $0x0;
	s13 =	simm.s32 $0x0  }
0x5: {  	s12 =	simm.s32 $0x0;
	s2 =	sshll.u32 s1, $0x7;
	s3 =	sshll.u32 s3, $0x7  }
0x6: {  	s3 =	sand.u32 $0x80, s3;
	s4 =	ssub.s32 $0x800, s2;
	s11 =	smov.u32 s2  }
0x7: {  	s5 =	sshrl.u32 s4, $0xB;
	s4 =	sand.u32 $0x780, s4;
	s6 =	ssub.s32 $0x1000, s3  }
0x8: {  	p0 =	sne.s32 s4, $0x0;
	s30 =	sshrl.u32 s6, $0x7;
	s6 =	sshrl.u32 s6, $0x8  }
.Ltmp0:
0x9: {  	s8 =	simm.s32 @!p0 $0x0;
	s9 =	sand.u32 $0x1, s30;
	(pc) =	sbr.rel .LBB1_1-.Ltmp0, $4  }
0xa: {  	s4 =	simm.s32 $0x1;
	s5 =	sadd.s32 s8, s5;
	s6 =	sadd.s32 s6, s9  }
0xb: {  	s10 =	smov.u32 s3;
	[sflag:s4] =	ssyncpa.u1 $0x0;
	s5 =	smul.u32 s5, s6  }
0xc: {  	p0 =	por $0x0, $0x0;
	[sflag:s31] =	ssyncpa.u1 $0x0;
	s9 =	simm.s32 $0x4000  }
0xd: {  	s6 =	sadd.s32 $0x220A00, s7;
	s7 =	sadd.s32 $0x320A00, s7;
	s8 =	sadd.s32 $0x1, s5  }
.LBB1_4:
0xe: {  	v5 =	vld [tilespmem:s17+$0xFFFFFFD0]  }
0xf: {  	[tilespmem:s18+$0x2040 ss:$0x81] =	vst.msk $0xffff, v1;
	v58 =	vld [tilespmem:s17+$0xFFFFFFE0]  }
0x10: {  	[tilespmem:s18+$0x2850 ss:$0x81] =	vst.msk $0xffff, v2;
	v59 =	vld [tilespmem:s17+$0xFFFFFFF0]  }
0x11: {  	s19 =	sshra.s32 s19, $0x2;
	[tilespmem:s18+$0x3060 ss:$0x81] =	vst.msk $0xffff, v3;
	v60 =	vld [tilespmem:s17+$0x0]  }
0x12: {  	[tilespmem:s18+$0x0 ss:$0x81] =	vst.msk $0xffff, v0;
	v61 =	vld [tilespmem:s17+$0x10];
	s16 =	sadd.s32 s19, s16  }
0x13: {  	s26 =	sshll.u32 s14, $0xB;
	v62 =	vld [tilespmem:s17+$0x20];
	[tilespmem:s16+$0x3870 ss:$0x81] =	vst.msk $0xffff, v4  }
0x14: {  	s27 =	sand.u32 $0x78, s13;
	s20 =	sshll.u32 s13, $0x3;
	v63 =	vld [tilespmem:s17+$0xFFFFFFC0];
	s29 =	sshll.u32 s14, $0x7;
	[tilespmem:s16+$0x810 ss:$0x81] =	vst.msk $0xffff, v5  }
0x15: {  	s18 =	sand.u32 $0x7FC000, s26;
	s28 =	sand.u32 $0x7FFC00, s20;
	s20 =	sand.u32 $0x400, s20;
	[tilespmem:s16+$0x1020 ss:$0x81] =	vst.msk $0xffff, v58  }
0x16: {  	s14 =	sand.u32 $0x380, s29;
	s17 =	sadd.s32 s28, s18;
	s30 =	sor.u32 s27, s20;
	[tilespmem:s16+$0x1830 ss:$0x81] =	vst.msk $0xffff, v59  }
0x17: {  	s17 =	sand.u32 $0x7FF800, s17;
	s14 =	sor.u32 s14, s30;
	[tilespmem:s16+$0x2040 ss:$0x81] =	vst.msk $0xffff, v60  }
0x18: {  	s31 =	sand.u32 $0x7, s13;
	s14 =	sor.u32 s17, s14;
	[tilespmem:s16+$0x2850 ss:$0x81] =	vst.msk $0xffff, v61  }
0x19: {  	s13 =	sshll.u32 s31, $0x12;
	[tilespmem:s16+$0x3060 ss:$0x81] =	vst.msk $0xffff, v62;
	s14 =	sshrl.u32 s14, $0x3  }
0x1a: {  	s13 =	sor.u32 $0x400, s13;
	[tilespmem:s16+$0x0 ss:$0x81] =	vst.msk $0xffff, v63;
	s14 =	sadd.s32 s7, s14  }
0x1b: {  	[hbm4b:s14+s13] =	stream.strided.scatter [tilespmem:s15], [sflag:$0x2], $0x4000, s9, s13, $0x20;
	[tilespmem:$0x10100] =	vst v63  }
.LBB1_5:
0x1c: {  	s15 =	sadd.s32 $0x100, s10  }
0x1d: {  	s13 =	sadd.s32 $0x800, s11;
	s17 =	smov.u32 s11;
	p2 =	sgt.s32 s15, $0xFFF  }
0x1e: {  	s17 =	smov.u32 @p2 s13  }
0x1f: {  	s15 =	smov.u32 @p2 s3;
	p2 =	sgt.s32 s17, $0x7FF  }
0x20: {  	s17 =	smov.u32 @p2 s2;
	p2 =	sne.s32 s12, s8  }
.Ltmp1:
0x21: {  	p1 =	slt.u32 s12, $0x2;
	(pc) =	sbr.rel @!p2 .LBB1_6-.Ltmp1, $4  }
0x22: {  	s16 =	simm.s32 @!p1 $0x2  }
0x23: {  	s14 =	smov.u32 s10;
	p0 =	por !p0, !p0;
	_ =	swait.ge @!p1 [sflag:s16], $0x4000  }
0x24: {  	s13 =	smov.u32 s11;
	[sflag:s16] =	ssyncset.done @!p1 $0x0;
	s10 =	smov.u32 s15  }
0x25: {  	s12 =	sadd.s32 $0x1, s12;
	[sflag:s16] =	ssyncadd.s32 @!p1 $0xFFFFC000;
	s11 =	smov.u32 s17  }
.LBB1_1:
0x26: {  	p1 =	sge.u32 s12, s5;
	s31 =	sadd.s32 $0xFFFFFFFF, s12  }
0x27: {  	s15 =	sand.u32 @!p1 $0x78, s10;
	s16 =	sshll.u32 @!p1 s11, $0xC;
	s17 =	sshll.u32 @!p1 s11, $0x7  }
0x28: {  	s18 =	sshll.u32 @!p1 s10, $0x3;
	s16 =	sand.u32 @!p1 $0x7F8000, s16;
	s17 =	sand.u32 @!p1 $0x380, s17  }
0x29: {  	s16 =	sadd.s32 @!p1 s16, s18;
	s18 =	sand.u32 @!p1 $0xC00, s18;
	s15 =	sor.u32 @!p1 s17, s15  }
0x2a: {  	s17 =	sxor.u32 @!p1 $0xFFFFFFFF, s12;
	s16 =	sand.u32 @!p1 $0x7FF000, s16;
	s15 =	sor.u32 @!p1 s18, s15  }
0x2b: {  	s17 =	sshll.u32 @!p1 s17, $0xE;
	s15 =	sor.u32 @!p1 s16, s15;
	s16 =	sand.u32 @!p1 $0x7, s10  }
0x2c: {  	s18 =	simm.s32 @!p1 $0x8000;
	s15 =	sshrl.u32 @!p1 s15, $0x3;
	s16 =	sshll.u32 @!p1 s16, $0x12  }
0x2d: {  	s17 =	sand.u32 @!p1 $0x4000, s17;
	s15 =	sadd.s32 @!p1 s6, s15;
	s16 =	sor.u32 @!p1 $0x400, s16  }
0x2e: {  	[tilespmem:s17], [sflag:$0x1] =	stream.strided.gather @!p1 [hbm4b:s15+s16], $0x4000, s18, s16, $0x38;
	[tilespmem:$0x10100] =	vst v63  }
0x2f: {  	p1 =	sge.u32 s31, s5  }
.Ltmp2:
0x30: {  	_ = 	snop;
	(pc) =	sbr.rel @p1 .LBB1_5-.Ltmp2, $1  }
0x31: {  	_ =	sdelay $0x3  }
0x32: {  	s15 =	simm.s32 $0x1  }
0x33: {  	_ =	swait.ge [sflag:s4], $0x4000;
	s15 =	simm.s32 @!p0 $0x0  }
0x34: {  	[sflag:s4] =	ssyncset.done $0x0;
	s16 =	sshll.u32 s15, $0xE  }
0x35: {  	[sflag:s4] =	ssyncadd.s32 $0xFFFFC000;
	s17 =	sor.u32 $0x40, s16  }
0x36: {  	s15 =	smul.u32 $0x10200, s15;
	v0 =	vld [tilespmem:s17+$0x30]  }
0x37: {  	v3 =	vld [tilespmem:s17+$0xFFFFFFD0]  }
0x38: {  	s15 =	sshrl.u32 s15, $0x2;
	v4 =	vld [tilespmem:s17+$0xFFFFFFE0]  }
0x39: {  	v5 =	vld [tilespmem:s17+$0xFFFFFFF0];
	s16 =	sor.u32 $0x8000, s15  }
0x3a: {  	s31 =	sand.u32 $0x1, s12;
	v1 =	vld [tilespmem:s17+$0x0];
	s18 =	sadd.s32 $0x0, s16  }
0x3b: {  	v2 =	vld [tilespmem:s17+$0x10];
	s15 =	smul.u32 $0x10200, s31;
	[tilespmem:s18+$0x3870 ss:$0x81] =	vst.msk $0xffff, v0  }
0x3c: {  	[tilespmem:s18+$0x810 ss:$0x81] =	vst.msk $0xffff, v3;
	v3 =	vld [tilespmem:s17+$0x20]  }
0x3d: {  	s15 =	sshrl.u32 s15, $0x2;
	v0 =	vld [tilespmem:s17+$0xFFFFFFC0];
	[tilespmem:s18+$0x1020 ss:$0x81] =	vst.msk $0xffff, v4;
	s17 =	sadd.s32 $0x80, s17  }
0x3e: {  	s19 =	simm.s32 $0x4;
	s20 =	simm.s32 $0x8;
	s15 =	sor.u32 $0x8000, s15;
	[tilespmem:s18+$0x1830 ss:$0x81] =	vst.msk $0xffff, v5;
	v4 =	vld [tilespmem:s17+$0x30]  }
.LBB1_3:
0x3f: {  	p1 =	sne.s32 s20, $0x1FC;
	v5 =	vld [tilespmem:s17+$0xFFFFFFD0];
	[tilespmem:s18+$0x2040 ss:$0x81] =	vst.msk $0xffff, v1  }
0x40: {  	v6 =	vld [tilespmem:s17+$0xFFFFFFE0];
	[tilespmem:s18+$0x2850 ss:$0x81] =	vst.msk $0xffff, v2  }
0x41: {  	s21 =	sshra.s32 s19, $0x2;
	s19 =	smov.u32 s20;
	v7 =	vld [tilespmem:s17+$0xFFFFFFF0];
	[tilespmem:s18+$0x3060 ss:$0x81] =	vst.msk $0xffff, v3  }
.Ltmp3:
0x42: {  	v1 =	vld [tilespmem:s17+$0x0];
	[tilespmem:s18+$0x0 ss:$0x81] =	vst.msk $0xffff, v0;
	s18 =	sadd.s32 s21, s16;
	(pc) =	sbr.rel @p1 .LBB1_3-.Ltmp3, $4  }
0x43: {  	v2 =	vld [tilespmem:s17+$0x10];
	[tilespmem:s18+$0x3870 ss:$0x81] =	vst.msk $0xffff, v4  }
0x44: {  	[tilespmem:s18+$0x810 ss:$0x81] =	vst.msk $0xffff, v5;
	v3 =	vld [tilespmem:s17+$0x20]  }
0x45: {  	v0 =	vld [tilespmem:s17+$0xFFFFFFC0];
	[tilespmem:s18+$0x1020 ss:$0x81] =	vst.msk $0xffff, v6;
	s17 =	sadd.s32 $0x80, s17  }
0x46: {  	s20 =	sadd.s32 $0x4, s20;
	v4 =	vld [tilespmem:s17+$0x30];
	[tilespmem:s18+$0x1830 ss:$0x81] =	vst.msk $0xffff, v7  }
.Ltmp4:
0x47: {  	_ = 	snop;
	(pc) =	sbr.rel .LBB1_4-.Ltmp4, $1  }
0x48: {  	_ =	sdelay $0x3  }
.LBB1_6:
0x49: {  	_ =	sfence.sel $0x180000  }
0x4a: {  	s2 =	simm.s32 $0x1;
	[bflag:$0x0] =	sbarrier.arrive $0xFFFF  }
0x4b: {  	s31 =	simm.s32 $0x2;
	[sflag:s2] =	ssyncpa.u1 $0x1  }
0x4c: {  	[sflag:s31] =	ssyncpa.u1 $0x1  }
0x4d: {  	p0 =	sne.s32 s1, $0x0;
	_ =	strace $0x90000053  }
0x4e: {  	s0 =	sadd.s32 @!p0 $0x100000, s0;
	[bflag:$0x2] =	sbarrier.arrive $0xFFFF  }
0x4f: {  	[sflag:s0] =	ssyncadd.tile.s32 @!p0 $0x1;
	_ =	shalt  }
.Lfunc_end1:
_tile_overlayer_lowered:
.L_overlay_start_2:
0x50: {  	(tag) =	ssettag $0x2  }
0x51: {  	s0 =	rddreg [dreg:$0x0];
	s2 =	stileid.u32  }
0x52: {  	s1 =	rddreg [dreg:$0x1];
	p0 =	sne.s32 s2, $0x0  }
0x53: {  	s3 =	rddreg [dreg:$0x2];
	[bflag:$0x3] =	sbarrier.arrive $0xFFFF;
	s2 =	simm.s32 @!p0 $0x1C01  }
0x54: {  	[timem:s3], [sflag:s2] =	dma.local @!p0 [hbm:s0], s1  }
0x55: {  	s0 =	simm.s32 @!p0 $0x1  }
0x56: {  	_ =	swait.ge @!p0 [sflag:s0], s1  }
0x57: {  	s1 =	ssub.s32 @!p0 $0x0, s1;
	[sflag:s0] =	ssyncset.done @!p0 $0x0  }
0x58: {  	[sflag:s0] =	ssyncadd.s32 @!p0 s1  }
0x59: {  	[bflag:$0x3] =	sbarrier.arrive $0xFFFF  }
0x5a: {  	_ =	shalt  }

// kernel: sparse-core-data-format-call.cloned.1.call-start
scs
called_computation_lowered:
.L_overlay_start_0:
0x0: {  	s1 =	sld [smem:$0x3FD9]  }
0x1: {  	s2 =	sld [smem:$0x3FFE];
	_ =	sdelay $0x1  }
0x2: {  	s3 =	srdreg.scid  }
0x3: {  	s0 =	sand.u32 $0x1, s3  }
0x4: {  	s17 =	sshll.u32 s0, $0xA;
	s1 =	sadd.s32 s2, s1  }
0x5: {  	s1 =	sadd.s32 s1, s17  }
0x6: {  	[smem:$0x3FAE] =	sst s1  }
0x7: {  	_ = 	snop  }
0x8: {  	(tm) =	ssettm $0x1  }
0x9: {  	s18 =	sld [smem:$0x3FFB];
	_ =	sdelay $0x3  }
0xa: {  	_ =	strace s18  }
0xb: {  	s1 =	sld [smem:$0x3FFC];
	_ =	sdelay $0x3  }
0xc: {  	_ =	strace s1  }
0xd: {  	s1 =	sld [smem:$0x3FFD];
	_ =	sdelay $0x3  }
0xe: {  	_ =	strace s1  }
0xf: {  	_ =	strace $0x8FFFFFFF  }
0x10: {  	s19 =	sld [smem:$0x3FDB];
	_ =	sdelay $0x1  }
0x11: {  	s20 =	simm.s32 $_scs_section_size  }
0x12: {  	s4 =	simm.s32 $_size__tile_overlayer_lowered;
	s5 =	simm.s32 $_tile_overlayer_lowered  }
0x13: {  	s23 =	simm.s32 $0x1BFF;
	s22 =	sshll.u32 s5, $0x1;
	s1 =	sadd.s32 s20, s19  }
0x14: {  	s6 =	simm.s32 $0x0;
	s21 =	sshll.u32 s4, $0x1;
	s4 =	sadd.s32 s22, s1  }
0x15: {  	[timem:s6], [sflag:s23] =	dma.local [hbm:s4], s21  }
0x16: {  	_ =	swait.ge [sflag:s23], s21  }
0x17: {  	s2 =	ssub.s32 $0x0, s21;
	[sflag:s23] =	ssyncset.done $0x0  }
0x18: {  	[sflag:s23] =	ssyncadd.s32 s2;
	_ =	sdelay $0x1  }
0x19: {  	s24 =	simm.s32 $0x1B8B  }
0x1a: {  	_ =	swait.ge [sflag:s24], $0x1  }
0x1b: {  	[sflag:s24] =	ssyncset.done $0x0  }
0x1c: {  	s26 =	simm.s32 $0x1B8E;
	s25 =	sld [smem:$0x3FFE];
	[sflag:s24] =	ssyncadd.s32 $0xFFFFFFFF  }
0x1d: {  	s27 =	simm.s32 $execute0_lowered;
	[smem:$0x3FD2] =	sst s26  }
0x1e: {  	s4 =	sshll.u32 s27, $0x1;
	_ =	strace $0x80000055;
	[dreg:$0x1] =	wrdreg $0xFFFFFFFF  }
0x1f: {  	s28 =	simm.s32 $_size_execute0_lowered;
	s1 =	sadd.s32 s1, s4;
	[dreg:$0x0] =	wrdreg $0x0  }
0x20: {  	s4 =	sshll.u32 s28, $0x1;
	[dreg:$0x2] =	wrdreg s1  }
0x21: {  	[dreg:$0x3] =	wrdreg s4  }
0x22: {  	[dreg:$0x4] =	wrdreg $0xC0  }
0x23: {  	_ =	task [dreg:s6], $0x5FFFF  }
0x24: {  	[dreg:$0x1] =	wrdreg $0xFFFFFFFF  }
0x25: {  	[dreg:$0x0] =	wrdreg $0x60  }
0x26: {  	[dreg:$0x2] =	wrdreg s25  }
0x27: {  	[dreg:$0x3] =	wrdreg $0x9  }
0x28: {  	_ =	task.clear_ibuf [dreg:s6], $0x4FFFF;
	_ =	strace $0x90000055  }
0x29: {  	s29 =	simm.s32 $0x9;
	_ =	strace $0x80000057  }
0x2a: {  	_ =	swait.ge [sflag:s29], $0x1  }
0x2b: {  	[sflag:s29] =	ssyncadd.s32 $0xFFFFFFFF  }
0x2c: {  	_ =	strace $0x90000057  }
0x2d: {  	_ =	sfence  }
0x2e: {  	s30 =	sld [smem:$0x0];
	_ =	sdelay $0x2  }
0x2f: {  	s31 =	sshll.u32 s3, $0xD;
	s3 =	sshrl.u32 s3, $0x2  }
0x30: {  	s2 =	sand.u32 $0x4000, s31;
	s1 =	sadd.s32 s3, s30  }
0x31: {  	s0 =	sor.u32 s2, s0;
	s1 =	sshll.u32 s1, $0x11  }
0x32: {  	s0 =	sor.u32 s1, s0  }
0x33: {  	s0 =	sadd.s32 $0x8F2B, s0  }
0x34: {  	[sflag:s0] =	ssyncadd.remote.s32 $0x1  }
0x35: {  	_ =	sfence.sel $0xFFFF  }
0x36: {  	[dreg:$0x0] =	wrdreg $0xFFFFFFFF;
	(pc) =	sbr.abs _section_cstart, $3  }
0x37: {  	[dreg:$0x1] =	wrdreg $0xFFFFFFFF  }
0x38: {  	_ =	task.clear_ibuf [dreg:s6], $0x2FFFF;
	_ =	strace $0x9FFFFFFF  }
0x39: {  	(tm) =	ssettm $0x7FFFFFFF  }
tec
execute0_lowered:
.L_overlay_start_1:
0x0: {  	(tag) =	ssettag $0x1  }
0x1: {  	s7 =	rddreg [dreg:$0x0]  }
0x2: {  	s1 =	stileid.u32;
	s3 =	srdreg.scid  }
0x3: {  	s0 =	rddreg [dreg:$0x1];
	_ =	strace $0x80000056;
	s8 =	simm.s32 $0x1  }
0x4: {  	s31 =	simm.s32 $0x2;
	s14 =	simm.s32 $0x0;
	s13 =	simm.s32 $0x0  }
0x5: {  	s12 =	simm.s32 $0x0;
	s2 =	sshll.u32 s1, $0x7;
	s3 =	sshll.u32 s3, $0x1  }
0x6: {  	s3 =	sand.u32 $0x2, s3;
	s4 =	ssub.s32 $0x800, s2;
	s11 =	smov.u32 s2  }
0x7: {  	s5 =	sshrl.u32 s4, $0xB;
	s4 =	sand.u32 $0x780, s4;
	s6 =	ssub.s32 $0x40, s3  }
0x8: {  	p0 =	sne.s32 s4, $0x0;
	s30 =	sshrl.u32 s6, $0x1;
	s6 =	sshrl.u32 s6, $0x2  }
.Ltmp0:
0x9: {  	s8 =	simm.s32 @!p0 $0x0;
	s9 =	sand.u32 $0x1, s30;
	(pc) =	sbr.rel .LBB1_1-.Ltmp0, $4  }
0xa: {  	s4 =	simm.s32 $0x1;
	s5 =	sadd.s32 s8, s5;
	s6 =	sadd.s32 s6, s9  }
0xb: {  	s10 =	smov.u32 s3;
	[sflag:s4] =	ssyncpa.u1 $0x0;
	s5 =	smul.u32 s5, s6  }
0xc: {  	p0 =	por $0x0, $0x0;
	[sflag:s31] =	ssyncpa.u1 $0x0;
	s9 =	simm.s32 $0x2000  }
0xd: {  	s6 =	sadd.s32 $0x10200, s7;
	s7 =	sadd.s32 $0x210200, s7;
	s8 =	sadd.s32 $0x1, s5  }
.LBB1_4:
0xe: {  	v11 =	vld [tilespmem:s18+$0xFFFFFFE0];
	v12 =	vcombine.low v6, v7  }
0xf: {  	v3 =	vperm.xlane.i2c.b16 v3;
	[tilespmem:s20+$0x3870 ss:$0x81] =	vst.msk $0xffff, v9;
	v45 =	vld [tilespmem:s18+$0xFFFFFFF0];
	v4 =	vperm.xlane.i2c.b16 v4  }
0x10: {  	v46 =	vcombine.high v6, v7;
	[tilespmem:s17+$0x2040 ss:$0x81] =	vst.msk $0xffff, v10;
	v47 =	vld [tilespmem:s18+$0x0];
	v5 =	vperm.xlane.i2c.b16 v5  }
0x11: {  	v49 =	vld [tilespmem:s18+$0x10];
	v1 =	vperm.xlane.i2c.b16 v1;
	[tilespmem:s20+$0x810 ss:$0x81] =	vst.msk $0xffff, v12;
	v48 =	vcombine.low v8, v3  }
0x12: {  	v51 =	vld [tilespmem:s18+$0xFFFFFFC0];
	v58 =	vperm.xlane.i2c.b16 v2;
	v50 =	vcombine.low v4, v0;
	[tilespmem:s20+$0x2850 ss:$0x81] =	vst.msk $0xffff, v46  }
0x13: {  	s27 =	sshra.s32 s19, $0x2;
	v3 =	vcombine.high v8, v3;
	v52 =	vcombine.low v1, v5;
	[tilespmem:s20+$0x1020 ss:$0x81] =	vst.msk $0xffff, v48  }
0x14: {  	s15 =	sadd.s32 s27, s15;
	v1 =	vcombine.high v1, v5;
	v55 =	vcombine.high v4, v0;
	[tilespmem:s20+$0x0 ss:$0x81] =	vst.msk $0xffff, v50  }
0x15: {  	[tilespmem:s15+$0x1830 ss:$0x81] =	vst.msk $0xffff, v52;
	v11 =	vperm.xlane.i2c.b16 v11;
	v53 =	vperm.xlane.i2c.b16 v45  }
0x16: {  	[tilespmem:s20+$0x3060 ss:$0x81] =	vst.msk $0xffff, v3;
	v54 =	vperm.xlane.i2c.b16 v47;
	v57 =	vperm.xlane.i2c.b16 v49  }
0x17: {  	[tilespmem:s15+$0x3870 ss:$0x81] =	vst.msk $0xffff, v1;
	v60 =	vperm.xlane.i2c.b16 v51;
	v56 =	vcombine.low v11, v53  }
0x18: {  	[tilespmem:s20+$0x2040 ss:$0x81] =	vst.msk $0xffff, v55;
	v61 =	vcombine.low v54, v57  }
0x19: {  	s28 =	sshll.u32 s13, $0x3;
	v63 =	vcombine.low v60, v58;
	[tilespmem:s15+$0x810 ss:$0x81] =	vst.msk $0xffff, v56  }
0x1a: {  	s29 =	sshll.u32 s13, $0x1;
	s14 =	sshll.u32 s14, $0xE;
	s30 =	sshrl.u32 s13, $0x1;
	v59 =	vcombine.high v11, v53;
	[tilespmem:s15+$0x1020 ss:$0x81] =	vst.msk $0xffff, v61  }
0x1b: {  	s31 =	sand.u32 $0x7, s13;
	s18 =	sand.u32 $0xF0, s29;
	s17 =	sand.u32 $0x400, s28;
	v62 =	vcombine.high v54, v57;
	[tilespmem:s15+$0x0 ss:$0x81] =	vst.msk $0xffff, v63  }
0x1c: {  	s14 =	sadd.s32 s7, s14;
	s17 =	sor.u32 s18, s17;
	s18 =	sand.u32 $0x3F80, s30;
	v0 =	vcombine.high v60, v58;
	[tilespmem:s15+$0x2850 ss:$0x81] =	vst.msk $0xffff, v59  }
0x1d: {  	s13 =	sshll.u32 s31, $0x12;
	s17 =	sshrl.u32 s17, $0x4;
	s14 =	sadd.s32 s18, s14;
	[tilespmem:s15+$0x3060 ss:$0x81] =	vst.msk $0xffff, v62  }
0x1e: {  	s13 =	sor.u32 $0x200, s13;
	s14 =	sadd.s32 s17, s14;
	[tilespmem:s15+$0x2040 ss:$0x81] =	vst.msk $0xffff, v0  }
0x1f: {  	[hbm4b:s14+s13] =	stream.strided.scatter [tilespmem:s16], [sflag:$0x2], $0x4000, s9, s13, $0x20;
	[tilespmem:$0x10100] =	vst v63  }
.LBB1_5:
0x20: {  	s15 =	sadd.s32 $0x4, s10  }
0x21: {  	s13 =	sadd.s32 $0x800, s11;
	s17 =	smov.u32 s11;
	p2 =	sgt.s32 s15, $0x3F  }
0x22: {  	s17 =	smov.u32 @p2 s13  }
0x23: {  	s15 =	smov.u32 @p2 s3;
	p2 =	sgt.s32 s17, $0x7FF  }
0x24: {  	s17 =	smov.u32 @p2 s2;
	p2 =	sne.s32 s12, s8  }
.Ltmp1:
0x25: {  	p1 =	slt.u32 s12, $0x2;
	(pc) =	sbr.rel @!p2 .LBB1_6-.Ltmp1, $4  }
0x26: {  	s16 =	simm.s32 @!p1 $0x2  }
0x27: {  	s14 =	smov.u32 s10;
	p0 =	por !p0, !p0;
	_ =	swait.ge @!p1 [sflag:s16], $0x4000  }
0x28: {  	s13 =	smov.u32 s11;
	[sflag:s16] =	ssyncset.done @!p1 $0x0;
	s10 =	smov.u32 s15  }
0x29: {  	s12 =	sadd.s32 $0x1, s12;
	[sflag:s16] =	ssyncadd.s32 @!p1 $0xFFFFC000;
	s11 =	smov.u32 s17  }
.LBB1_1:
0x2a: {  	p1 =	sge.u32 s12, s5  }
0x2b: {  	s15 =	sshll.u32 @!p1 s11, $0x9;
	s16 =	sshll.u32 @!p1 s10, $0x3  }
0x2c: {  	s17 =	sxor.u32 @!p1 $0xFFFFFFFF, s12;
	s16 =	sand.u32 @!p1 $0x1F0, s16;
	s15 =	sadd.s32 @!p1 s6, s15  }
0x2d: {  	s31 =	sadd.s32 $0xFFFFFFFF, s12;
	s15 =	sadd.s32 @!p1 s16, s15;
	s16 =	sshll.u32 @!p1 s17, $0xE  }
0x2e: {  	s18 =	simm.s32 @!p1 $0x1000;
	s17 =	simm.s32 @!p1 $0x80;
	s16 =	sand.u32 @!p1 $0x4000, s16  }
0x2f: {  	[tilespmem:s16], [sflag:$0x1] =	stream.strided.gather @!p1 [hbm4b:s15+s17], $0x4000, s18, s17, $0x38;
	[tilespmem:$0x10100] =	vst v63  }
0x30: {  	p1 =	sge.u32 s31, s5  }
.Ltmp2:
0x31: {  	_ = 	snop;
	(pc) =	sbr.rel @p1 .LBB1_5-.Ltmp2, $1  }
0x32: {  	_ =	sdelay $0x3  }
0x33: {  	s15 =	simm.s32 $0x1  }
0x34: {  	_ =	swait.ge [sflag:s4], $0x4000;
	s15 =	simm.s32 @!p0 $0x0  }
0x35: {  	[sflag:s4] =	ssyncset.done $0x0;
	s16 =	sshll.u32 s15, $0xE  }
0x36: {  	[sflag:s4] =	ssyncadd.s32 $0xFFFFC000;
	s16 =	sor.u32 $0x40, s16  }
0x37: {  	v0 =	vld [tilespmem:s16+$0x20]  }
0x38: {  	v1 =	vld [tilespmem:s16+$0x30]  }
0x39: {  	v2 =	vld [tilespmem:s16+$0xFFFFFFD0]  }
0x3a: {  	v3 =	vld [tilespmem:s16+$0xFFFFFFE0]  }
0x3b: {  	v4 =	vld [tilespmem:s16+$0xFFFFFFF0]  }
0x3c: {  	v5 =	vld [tilespmem:s16+$0x0]  }
0x3d: {  	v6 =	vld [tilespmem:s16+$0x10]  }
0x3e: {  	v7 =	vld [tilespmem:s16+$0xFFFFFFC0]  }
0x3f: {  	s15 =	smul.u32 $0x10200, s15;
	v1 =	vperm.xlane.i2c.b16 v1;
	v0 =	vperm.xlane.i2c.b16 v0  }
0x40: {  	s16 =	sadd.s32 $0x80, s16;
	v10 =	vperm.xlane.i2c.b16 v2;
	v3 =	vperm.xlane.i2c.b16 v3  }
0x41: {  	s15 =	sshrl.u32 s15, $0x2;
	v9 =	vld [tilespmem:s16+$0x30];
	v4 =	vperm.xlane.i2c.b16 v4;
	v5 =	vperm.xlane.i2c.b16 v5  }
0x42: {  	s15 =	sor.u32 $0x8000, s15;
	v2 =	vld [tilespmem:s16+$0x20];
	v6 =	vperm.xlane.i2c.b16 v6;
	v8 =	vcombine.low v0, v1  }
0x43: {  	v12 =	vld [tilespmem:s16+$0xFFFFFFF0];
	s17 =	sadd.s32 $0x0, s15;
	v13 =	vperm.xlane.i2c.b16 v7;
	v11 =	vcombine.low v3, v4  }
0x44: {  	v0 =	vcombine.high v0, v1;
	v1 =	vld [tilespmem:s16+$0xFFFFFFD0];
	v7 =	vcombine.low v5, v6;
	[tilespmem:s17+$0x1830 ss:$0x81] =	vst.msk $0xffff, v8  }
0x45: {  	v8 =	vld [tilespmem:s16+$0xFFFFFFE0];
	[tilespmem:s17+$0x810 ss:$0x81] =	vst.msk $0xffff, v11  }
0x46: {  	v14 =	vld [tilespmem:s16+$0x0];
	v9 =	vperm.xlane.i2c.b16 v9;
	v5 =	vcombine.high v5, v6;
	[tilespmem:s17+$0x1020 ss:$0x81] =	vst.msk $0xffff, v7  }
0x47: {  	s18 =	sand.u32 $0x1, s12;
	[tilespmem:s17+$0x3870 ss:$0x81] =	vst.msk $0xffff, v0;
	v0 =	vcombine.high v3, v4;
	v3 =	vld [tilespmem:s16+$0x10];
	v2 =	vperm.xlane.i2c.b16 v2  }
0x48: {  	s19 =	smul.u32 $0x10200, s18;
	s18 =	sadd.s32 $0x80, s16;
	v11 =	vcombine.low v13, v10;
	v7 =	vperm.xlane.i2c.b16 v12;
	v4 =	vld [tilespmem:s16+$0xFFFFFFC0];
	[tilespmem:s17+$0x3060 ss:$0x81] =	vst.msk $0xffff, v5  }
0x49: {  	v5 =	vld [tilespmem:s18+$0x30];
	[tilespmem:s17+$0x2850 ss:$0x81] =	vst.msk $0xffff, v0;
	v0 =	vperm.xlane.i2c.b16 v1;
	v15 =	vcombine.low v2, v9  }
0x4a: {  	s31 =	sshrl.u32 s19, $0x2;
	s20 =	sadd.s32 $0x1, s15;
	[tilespmem:s17+$0x0 ss:$0x81] =	vst.msk $0xffff, v11;
	v1 =	vld [tilespmem:s18+$0x20];
	v9 =	vcombine.high v2, v9;
	v6 =	vperm.xlane.i2c.b16 v8  }
0x4b: {  	s21 =	simm.s32 $0xC;
	s19 =	simm.s32 $0x8;
	v10 =	vcombine.high v13, v10;
	s16 =	sor.u32 $0x8000, s31;
	v2 =	vld [tilespmem:s18+$0xFFFFFFD0];
	v8 =	vperm.xlane.i2c.b16 v14;
	[tilespmem:s20+$0x1830 ss:$0x81] =	vst.msk $0xffff, v15  }
.LBB1_3:
0x4c: {  	p1 =	sne.s32 s21, $0x1FC;
	v11 =	vld [tilespmem:s18+$0xFFFFFFE0];
	v12 =	vcombine.low v6, v7;
	v3 =	vperm.xlane.i2c.b16 v3;
	[tilespmem:s20+$0x3870 ss:$0x81] =	vst.msk $0xffff, v9  }
0x4d: {  	v13 =	vperm.xlane.i2c.b16 v4;
	v4 =	vcombine.high v6, v7;
	v9 =	vld [tilespmem:s18+$0xFFFFFFF0];
	[tilespmem:s17+$0x2040 ss:$0x81] =	vst.msk $0xffff, v10;
	s17 =	smov.u32 s20  }
0x4e: {  	v10 =	vld [tilespmem:s18+$0x0];
	[tilespmem:s17+$0x810 ss:$0x81] =	vst.msk $0xffff, v12;
	v6 =	vcombine.low v8, v3;
	v7 =	vcombine.high v8, v3  }
.Ltmp3:
0x4f: {  	v8 =	vperm.xlane.i2c.b16 v5;
	v12 =	vperm.xlane.i2c.b16 v1;
	v3 =	vld [tilespmem:s18+$0x10];
	[tilespmem:s17+$0x2850 ss:$0x81] =	vst.msk $0xffff, v4;
	(pc) =	sbr.rel @p1 .LBB1_3-.Ltmp3, $4  }
0x50: {  	v14 =	vperm.xlane.i2c.b16 v2;
	v2 =	vcombine.low v13, v0;
	v4 =	vld [tilespmem:s18+$0xFFFFFFC0];
	s18 =	sadd.s32 $0x80, s18;
	[tilespmem:s17+$0x1020 ss:$0x81] =	vst.msk $0xffff, v6  }
0x51: {  	s20 =	sshra.s32 s19, $0x2;
	s19 =	smov.u32 s21;
	v1 =	vld [tilespmem:s18+$0x20];
	v6 =	vperm.xlane.i2c.b16 v11;
	v11 =	vcombine.low v12, v8;
	[tilespmem:s17+$0x3060 ss:$0x81] =	vst.msk $0xffff, v7  }
0x52: {  	s20 =	sadd.s32 s20, s15;
	v5 =	vld [tilespmem:s18+$0x30];
	v7 =	vperm.xlane.i2c.b16 v9;
	v9 =	vcombine.high v12, v8;
	[tilespmem:s17+$0x0 ss:$0x81] =	vst.msk $0xffff, v2  }
0x53: {  	s21 =	sadd.s32 $0x4, s21;
	v2 =	vld [tilespmem:s18+$0xFFFFFFD0];
	v8 =	vperm.xlane.i2c.b16 v10;
	[tilespmem:s20+$0x1830 ss:$0x81] =	vst.msk $0xffff, v11;
	v10 =	vcombine.high v13, v0;
	v0 =	vmov v14  }
.Ltmp4:
0x54: {  	_ = 	snop;
	(pc) =	sbr.rel .LBB1_4-.Ltmp4, $1  }
0x55: {  	_ =	sdelay $0x3  }
.LBB1_6:
0x56: {  	_ =	sfence.sel $0x180000  }
0x57: {  	s2 =	simm.s32 $0x1;
	[bflag:$0x0] =	sbarrier.arrive $0xFFFF  }
0x58: {  	s31 =	simm.s32 $0x2;
	[sflag:s2] =	ssyncpa.u1 $0x1  }
0x59: {  	[sflag:s31] =	ssyncpa.u1 $0x1  }
0x5a: {  	p0 =	sne.s32 s1, $0x0;
	_ =	strace $0x90000056  }
0x5b: {  	s0 =	sadd.s32 @!p0 $0x100000, s0;
	[bflag:$0x2] =	sbarrier.arrive $0xFFFF  }
0x5c: {  	[sflag:s0] =	ssyncadd.tile.s32 @!p0 $0x1;
	_ =	shalt  }
.Lfunc_end1:
_tile_overlayer_lowered:
.L_overlay_start_2:
0x5d: {  	(tag) =	ssettag $0x2  }
0x5e: {  	s0 =	rddreg [dreg:$0x0];
	s2 =	stileid.u32  }
0x5f: {  	s1 =	rddreg [dreg:$0x1];
	p0 =	sne.s32 s2, $0x0  }
0x60: {  	s3 =	rddreg [dreg:$0x2];
	[bflag:$0x3] =	sbarrier.arrive $0xFFFF;
	s2 =	simm.s32 @!p0 $0x1C01  }
0x61: {  	[timem:s3], [sflag:s2] =	dma.local @!p0 [hbm:s0], s1  }
0x62: {  	s0 =	simm.s32 @!p0 $0x1  }
0x63: {  	_ =	swait.ge @!p0 [sflag:s0], s1  }
0x64: {  	s1 =	ssub.s32 @!p0 $0x0, s1;
	[sflag:s0] =	ssyncset.done @!p0 $0x0  }
0x65: {  	[sflag:s0] =	ssyncadd.s32 @!p0 s1  }
0x66: {  	[bflag:$0x3] =	sbarrier.arrive $0xFFFF  }
0x67: {  	_ =	shalt  }

</sc_bundles>
